<compile_context>
chip_gen: v7x
topology: tpu7x:2x2x1
jax: 0.10.2.dev20260603
libtpu: 0.0.44.dev20260713+nightly
codegen_flags: <defaults>
</compile_context>

<pallas_src>
import functools

import jax
import jax.numpy as jnp
from jax import lax
from jax.experimental import pallas as pl
from jax.experimental.pallas import tpu as pltpu
from jax.experimental.pallas import tpu_sc as plsc

N = 10000
E = 160000
F = 128
NT = 4

NC = 2
NS = 16
NW = NC * NS
CH = 64
E_PAD = 163840
NCH = E_PAD // (NW * CH)
IR = NCH * CH // 128
N_ACC = 10240

BN = 2000

BM = 1024
NB = 11
TB = NT * BM
ZB = (NB - 1) * TB
E2 = E // 128
EP2 = E_PAD // 128


def _mm_body(emb_ref, w_ref, b_ref, x_ref, ei_ref, et_ref,
             y_ref, gp_ref, dp_ref, mt_s, bt_s):
    i = pl.program_id(0)

    @pl.when(i == 0)
    def _():
        src = ei_ref[0]
        dstv = ei_ref[1]
        et = et_ref[...]
        g = ((src >> 10) << 12) | (et << 10) | (src & (BM - 1))
        npad = EP2 - E2 + 2
        r = lax.broadcasted_iota(jnp.int32, (npad, 128), 0)
        cc = lax.broadcasted_iota(jnp.int32, (npad, 128), 1)
        k = (E2 - 2 + r) * 128 + cc - E
        gpad = ZB + (k & (TB - 1))
        dpad = lax.rem(k + N, N)
        gp_ref[0:E2 - 2] = g[0:E2 - 2]
        dp_ref[0:E2 - 2] = dstv[0:E2 - 2]
        gp_ref[E2 - 2:EP2] = jnp.where(r < 2, jnp.concatenate(
            [g[E2 - 2:E2], gpad[2:]], axis=0), gpad)
        dp_ref[E2 - 2:EP2] = jnp.where(r < 2, jnp.concatenate(
            [dstv[E2 - 2:E2], dpad[2:]], axis=0), dpad)

    @pl.when(i == 0)
    def _():
        emb = emb_ref[...]
        m = jnp.max(emb, axis=-1, keepdims=True)
        ex = jnp.exp(emb - m)
        attr = ex / jnp.sum(ex, axis=-1, keepdims=True)
        wf = w_ref[...].reshape(NT, F * F)
        mt_s[...] = jnp.dot(attr, wf, preferred_element_type=jnp.float32
                            ).reshape(NT, F, F)
        bt_s[...] = jnp.dot(attr, b_ref[...], preferred_element_type=jnp.float32)

    @pl.when(i == NB - 1)
    def _():
        y_ref[...] = jnp.zeros_like(y_ref)

    @pl.when(i < NB - 1)
    def _():
        xb = x_ref[...]
        for t in range(NT):
            yt = lax.dot_general(xb, mt_s[t], (((1,), (1,)), ((), ())),
                                 preferred_element_type=jnp.float32)
            y_ref[t * BM:(t + 1) * BM, :] = yt + bt_s[t][None, :]


_mm = pl.pallas_call(
    _mm_body,
    grid=(NB,),
    in_specs=[
        pl.BlockSpec((NT, NT), lambda i: (0, 0)),
        pl.BlockSpec((NT, F, F), lambda i: (0, 0, 0)),
        pl.BlockSpec((NT, F), lambda i: (0, 0)),
        pl.BlockSpec((BM, F), lambda i: (jnp.minimum(i, NB - 2), 0)),
        pl.BlockSpec((2, E2, 128), lambda i: (0, 0, 0)),
        pl.BlockSpec((E2, 128), lambda i: (0, 0)),
    ],
    out_specs=(pl.BlockSpec((TB, F), lambda i: (i, 0)),
               pl.BlockSpec((EP2, 128), lambda i: (0, 0)),
               pl.BlockSpec((EP2, 128), lambda i: (0, 0))),
    out_shape=(jax.ShapeDtypeStruct((NB * TB, F), jnp.float32),
               jax.ShapeDtypeStruct((EP2, 128), jnp.int32),
               jax.ShapeDtypeStruct((EP2, 128), jnp.int32)),
    scratch_shapes=[
        pltpu.VMEM((NT, F, F), jnp.float32),
        pltpu.VMEM((NT, F), jnp.float32),
    ],
)


def _sc_body(y_hbm, g_hbm, d_hbm, z_hbm, out_hbm, gbuf, dbuf,
             r0, r1, r2, r3, acc,
             sg0, sg1, sg2, sg3, ss0, ss1, ss2, ss3):
    c = lax.axis_index("c")
    s = lax.axis_index("s")
    wid = s * NC + c
    rb = (r0, r1, r2, r3)
    sg = (sg0, sg1, sg2, sg3)
    ss = (ss0, ss1, ss2, ss3)
    with jax.named_scope("zero_phase"):
        pltpu.sync_copy(z_hbm, r0)
    nz = N_ACC // (NS * CH)
    for k in range(nz):
        pltpu.async_copy(r0, acc.at[pl.ds((s * nz + k) * CH, CH)], ss0)
    pltpu.sync_copy(g_hbm.at[wid], gbuf)
    pltpu.sync_copy(d_hbm.at[wid], dbuf)

    NBUF = 4
    NI = NCH // NBUF

    def gsl(row, col):
        return gbuf.at[row, pl.ds(col * CH, CH)]

    def dsl(row, col):
        return dbuf.at[row, pl.ds(col * CH, CH)]

    pltpu.async_copy(y_hbm.at[gsl(0, 0)], rb[0], sg[0])
    pltpu.async_copy(y_hbm.at[gsl(0, 1)], rb[1], sg[1])
    with jax.named_scope("zero_wait"):
        for k in range(nz):
            pltpu.make_async_copy(r0, acc.at[pl.ds((s * nz + k) * CH, CH)], ss0).wait()
        plsc.subcore_barrier()

    def body(i, carry):
        r0i = 2 * i
        for b in range(NBUF):
            row = r0i + b // 2
            col = b % 2
            bw = (b + 2) % NBUF
            rw = r0i + 1 + b // 2
            if b < 2:
                @pl.when(i > 0)
                def _():
                    pltpu.make_async_copy(rb[bw], acc.at[dsl(row, col)], ss[bw]).wait()
                pltpu.async_copy(y_hbm.at[gsl(rw, col)], rb[bw], sg[bw])
            else:
                @pl.when(i < NI - 1)
                def _():
                    pltpu.make_async_copy(rb[bw], acc.at[dsl(row, col)], ss[bw]).wait()
                    pltpu.async_copy(y_hbm.at[gsl(rw, col)], rb[bw], sg[bw])
            pltpu.make_async_copy(y_hbm.at[gsl(row, col)], rb[b], sg[b]).wait()
            pltpu.async_copy(rb[b], acc.at[dsl(row, col)], ss[b], add=True)
        return carry

    with jax.named_scope("gs_loop"):
        lax.fori_loop(0, NI, body, 0)
        for b in range(NBUF):
            pltpu.make_async_copy(rb[b], acc.at[dsl(IR - 2 + b // 2, b % 2)],
                                  ss[b]).wait()
    with jax.named_scope("post_barrier"):
        plsc.subcore_barrier()
    with jax.named_scope("copyout"):
        pltpu.sync_copy(acc.at[pl.ds(s * (N_ACC // NS), N_ACC // NS)],
                        out_hbm.at[c, pl.ds(s * (N_ACC // NS), N_ACC // NS)])


@functools.cache
def _get_sc():
    return functools.partial(
        pl.kernel,
        out_type=jax.ShapeDtypeStruct((NC, N_ACC, F), jnp.float32),
        mesh=plsc.VectorSubcoreMesh(core_axis_name="c", subcore_axis_name="s"),
        scratch_types=[
            pltpu.VMEM((IR, 128), jnp.int32),
            pltpu.VMEM((IR, 128), jnp.int32),
            pltpu.VMEM((CH, F), jnp.float32),
            pltpu.VMEM((CH, F), jnp.float32),
            pltpu.VMEM((CH, F), jnp.float32),
            pltpu.VMEM((CH, F), jnp.float32),
            pltpu.VMEM_SHARED((N_ACC, F), jnp.float32),
            pltpu.SemaphoreType.DMA,
            pltpu.SemaphoreType.DMA,
            pltpu.SemaphoreType.DMA,
            pltpu.SemaphoreType.DMA,
            pltpu.SemaphoreType.DMA,
            pltpu.SemaphoreType.DMA,
            pltpu.SemaphoreType.DMA,
            pltpu.SemaphoreType.DMA,
        ],
    )(_sc_body)


def _add_body(p_ref, o_ref):
    o_ref[...] = p_ref[0] + p_ref[1]


_add = pl.pallas_call(
    _add_body,
    grid=(N // BN,),
    in_specs=[pl.BlockSpec((NC, BN, F), lambda i: (0, i, 0))],
    out_specs=pl.BlockSpec((BN, F), lambda i: (i, 0)),
    out_shape=jax.ShapeDtypeStruct((N, F), jnp.float32),
)


def kernel(x, edge_index, edge_type, emb, W, b):
    y2, gp, dp = _mm(emb, W, b, x,
                     edge_index.reshape(2, E2, 128),
                     edge_type.reshape(E2, 128))
    g3 = gp.reshape(NW, IR, 128)
    d3 = dp.reshape(NW, IR, 128)
    z = jnp.zeros((CH, F), jnp.float32)
    partial = _get_sc()(y2, g3, d3, z)
    return _add(partial)

# --- scband reference (transcript-rebuilt; emitter-appended) ---
"""Pipeline reference for scband-autoregressive-model-87703232184670 (READ-ONLY COPY).

The authoritative reference and input builder live on the scoring server;
editing this copy changes nothing except your own understanding.
"""

import jax, jax.numpy as jnp
import numpy as np

N = 10000   # lattice sites (nodes)
E = 160000  # edges (avg_degree=16)
F = 128     # node_features (in == out, single GraphConv layer since node_features is int)
EF = 4      # edge_features
NT = 4      # number of distinct edge types (edge_type.max()+1)


def setup_inputs(seed: int = 0) -> dict:
    key = jax.random.key(seed)
    k = jax.random.split(key, 6)
    x = jax.random.normal(k[0], (N, F), dtype=jnp.float32)
    edge_index = jax.random.randint(k[1], (2, E), 0, N, dtype=jnp.int32)
    edge_type = jax.random.randint(k[2], (E,), 0, NT, dtype=jnp.int32)
    # nn.Embedding default init: N(0, 1)
    emb = jax.random.normal(k[3], (NT, EF), dtype=jnp.float32)
    # GraphConv.reset_parameters: uniform(-1/sqrt(out_features), 1/sqrt(out_features))
    bound = 1.0 / np.sqrt(F)
    W = jax.random.uniform(k[4], (EF, F, F), dtype=jnp.float32, minval=-bound, maxval=bound)
    b = jax.random.uniform(k[5], (EF, F), dtype=jnp.float32, minval=-bound, maxval=bound)
    return {"x": x, "edge_index": edge_index, "edge_type": edge_type, "emb": emb, "W": W, "b": b}


def reference(x, edge_index, edge_type, emb, W, b):
    # AutoregressiveModel.forward with node_features=int -> single GraphConv layer,
    # which uses the base (non-extended) edge_index / edge_attr.
    # edge_attr = Softmax(Embedding(edge_type))
    edge_attr = jax.nn.softmax(jnp.take(emb, edge_type, axis=0), axis=-1)  # [E, EF]
    src = edge_index[0]
    dst = edge_index[1]
    # MessagePassing: x_j = x[src] (gather)
    x_j = jnp.take(x, src, axis=0)  # [E, F]
    # message(): weight = tensordot(edge_attr, W, dims=1) -> [E, out, in];
    # msg = sum(weight * x_j[:, None, :], -1). Computed here as equivalent einsums
    # contracted in an order that avoids materializing [E, out, in].
    tmp = jnp.einsum('foi,ei->efo', W, x_j)          # [E, EF, F]
    msg = jnp.einsum('ef,efo->eo', edge_attr, tmp)   # [E, F]
    msg = msg + edge_attr @ b                        # bias: tensordot(edge_attr, bias, dims=1)
    # aggr='add' at target nodes (edge_index[1])
    out = jax.ops.segment_sum(msg, dst, num_segments=N)  # [N, F]
    return out

if __name__ == "__main__":
    import jax
    _d = setup_inputs()
    print(jax.jit(kernel)(*tuple(_d.values())))

</pallas_src>

<mosaic_0001>
#map = affine_map<(d0, d1) -> (0, 0)>
#map1 = affine_map<(d0, d1) -> (0, 0, 0)>
module attributes {stable_mosaic.version = 14 : i64} {
  func.func @_sc_body(%arg0: i32, %arg1: i32, %arg2: memref<45056x128xf32, #tpu.memory_space<hbm>>, %arg3: memref<32x40x128xi32, #tpu.memory_space<hbm>>, %arg4: memref<32x40x128xi32, #tpu.memory_space<hbm>>, %arg5: memref<64x128xf32, #tpu.memory_space<hbm>>, %arg6: memref<2x10240x128xf32, #tpu.memory_space<hbm>>, %arg7: memref<40x128xi32, #tpu.memory_space<vmem>>, %arg8: memref<40x128xi32, #tpu.memory_space<vmem>>, %arg9: memref<64x128xf32, #tpu.memory_space<vmem>>, %arg10: memref<64x128xf32, #tpu.memory_space<vmem>>, %arg11: memref<64x128xf32, #tpu.memory_space<vmem>>, %arg12: memref<64x128xf32, #tpu.memory_space<vmem>>, %arg13: memref<10240x128xf32, #tpu.memory_space<vmem_shared>>, %arg14: memref<!tpu.dma_semaphore, #tpu.memory_space<semaphore_mem>>, %arg15: memref<!tpu.dma_semaphore, #tpu.memory_space<semaphore_mem>>, %arg16: memref<!tpu.dma_semaphore, #tpu.memory_space<semaphore_mem>>, %arg17: memref<!tpu.dma_semaphore, #tpu.memory_space<semaphore_mem>>, %arg18: memref<!tpu.dma_semaphore, #tpu.memory_space<semaphore_mem>>, %arg19: memref<!tpu.dma_semaphore, #tpu.memory_space<semaphore_mem>>, %arg20: memref<!tpu.dma_semaphore, #tpu.memory_space<semaphore_mem>>, %arg21: memref<!tpu.dma_semaphore, #tpu.memory_space<semaphore_mem>>) attributes {dimension_semantics = [#tpu.dimension_semantics<core_parallel>, #tpu.dimension_semantics<subcore_parallel>], iteration_bounds = array<i64: 2, 16>, scalar_prefetch = 0 : i64, scratch_operands = 15 : i64, tpu.core_type = #tpu.core_type<sc_vector_subcore>, window_params = [{transform_indices = #map}, {transform_indices = #map1}, {transform_indices = #map1}, {transform_indices = #map}, {transform_indices = #map1}]} {
    %mul3A = arith.constant 2 : i32
    %mul3A_0 = arith.muli %arg1, %mul3A : i32
    %add3A = arith.addi %mul3A_0, %arg0 : i32
    "tpu.trace_start"() <{level = 10 : i32, message = "zero_phase"}> : () -> ()
    "tpu.region"() ({
      %run_scoped3A = tpu.sem_alloc : memref<!tpu.dma_semaphore, #tpu.memory_space<semaphore_mem>>
      tpu.enqueue_dma source(%arg5 : memref<64x128xf32, #tpu.memory_space<hbm>>) target(%arg9 : memref<64x128xf32, #tpu.memory_space<vmem>>) target_semaphore(%run_scoped3A : memref<!tpu.dma_semaphore, #tpu.memory_space<semaphore_mem>>)
      tpu.wait_dma2 semaphore(%run_scoped3A : memref<!tpu.dma_semaphore, #tpu.memory_space<semaphore_mem>>) src(%arg5 : memref<64x128xf32, #tpu.memory_space<hbm>>) dst(%arg9 : memref<64x128xf32, #tpu.memory_space<vmem>>)
      tpu.yield
    }) : () -> ()
    "tpu.trace_stop"() : () -> ()
    %mul3A_1 = arith.constant 10 : i32
    %mul3A_2 = arith.muli %arg1, %mul3A_1 : i32
    %add3A_3 = arith.constant 0 : i32
    %add3A_4 = arith.addi %mul3A_2, %add3A_3 : i32
    %mul3A_5 = arith.constant 64 : i32
    %mul3A_6 = arith.muli %add3A_4, %mul3A_5 : i32
    %dma_start3A = arith.constant 0 : i32
    %dma_start3A_7 = tpu.memref_slice %arg13[%mul3A_6, %dma_start3A] : memref<10240x128xf32, #tpu.memory_space<vmem_shared>> -> memref<64x128xf32, #tpu.memory_space<vmem_shared>>
    %dma_start3A_8 = arith.constant 0 : i32
    %dma_start3A_9 = tpu.memref_slice %arg13[%mul3A_6, %dma_start3A_8] : memref<10240x128xf32, #tpu.memory_space<vmem_shared>> -> memref<64x128xf32, #tpu.memory_space<vmem_shared>>
    tpu.enqueue_dma source(%arg9 : memref<64x128xf32, #tpu.memory_space<vmem>>) target(%dma_start3A_9 : memref<64x128xf32, #tpu.memory_space<vmem_shared>>) target_semaphore(%arg18 : memref<!tpu.dma_semaphore, #tpu.memory_space<semaphore_mem>>)
    %mul3A_10 = arith.constant 10 : i32
    %mul3A_11 = arith.muli %arg1, %mul3A_10 : i32
    %add3A_12 = arith.constant 1 : i32
    %add3A_13 = arith.addi %mul3A_11, %add3A_12 : i32
    %mul3A_14 = arith.constant 64 : i32
    %mul3A_15 = arith.muli %add3A_13, %mul3A_14 : i32
    %dma_start3A_16 = arith.constant 0 : i32
    %dma_start3A_17 = tpu.memref_slice %arg13[%mul3A_15, %dma_start3A_16] : memref<10240x128xf32, #tpu.memory_space<vmem_shared>> -> memref<64x128xf32, #tpu.memory_space<vmem_shared>>
    %dma_start3A_18 = arith.constant 0 : i32
    %dma_start3A_19 = tpu.memref_slice %arg13[%mul3A_15, %dma_start3A_18] : memref<10240x128xf32, #tpu.memory_space<vmem_shared>> -> memref<64x128xf32, #tpu.memory_space<vmem_shared>>
    tpu.enqueue_dma source(%arg9 : memref<64x128xf32, #tpu.memory_space<vmem>>) target(%dma_start3A_19 : memref<64x128xf32, #tpu.memory_space<vmem_shared>>) target_semaphore(%arg18 : memref<!tpu.dma_semaphore, #tpu.memory_space<semaphore_mem>>)
    %mul3A_20 = arith.constant 10 : i32
    %mul3A_21 = arith.muli %arg1, %mul3A_20 : i32
    %add3A_22 = arith.constant 2 : i32
    %add3A_23 = arith.addi %mul3A_21, %add3A_22 : i32
    %mul3A_24 = arith.constant 64 : i32
    %mul3A_25 = arith.muli %add3A_23, %mul3A_24 : i32
    %dma_start3A_26 = arith.constant 0 : i32
    %dma_start3A_27 = tpu.memref_slice %arg13[%mul3A_25, %dma_start3A_26] : memref<10240x128xf32, #tpu.memory_space<vmem_shared>> -> memref<64x128xf32, #tpu.memory_space<vmem_shared>>
    %dma_start3A_28 = arith.constant 0 : i32
    %dma_start3A_29 = tpu.memref_slice %arg13[%mul3A_25, %dma_start3A_28] : memref<10240x128xf32, #tpu.memory_space<vmem_shared>> -> memref<64x128xf32, #tpu.memory_space<vmem_shared>>
    tpu.enqueue_dma source(%arg9 : memref<64x128xf32, #tpu.memory_space<vmem>>) target(%dma_start3A_29 : memref<64x128xf32, #tpu.memory_space<vmem_shared>>) target_semaphore(%arg18 : memref<!tpu.dma_semaphore, #tpu.memory_space<semaphore_mem>>)
    %mul3A_30 = arith.constant 10 : i32
    %mul3A_31 = arith.muli %arg1, %mul3A_30 : i32
    %add3A_32 = arith.constant 3 : i32
    %add3A_33 = arith.addi %mul3A_31, %add3A_32 : i32
    %mul3A_34 = arith.constant 64 : i32
    %mul3A_35 = arith.muli %add3A_33, %mul3A_34 : i32
    %dma_start3A_36 = arith.constant 0 : i32
    %dma_start3A_37 = tpu.memref_slice %arg13[%mul3A_35, %dma_start3A_36] : memref<10240x128xf32, #tpu.memory_space<vmem_shared>> -> memref<64x128xf32, #tpu.memory_space<vmem_shared>>
    %dma_start3A_38 = arith.constant 0 : i32
    %dma_start3A_39 = tpu.memref_slice %arg13[%mul3A_35, %dma_start3A_38] : memref<10240x128xf32, #tpu.memory_space<vmem_shared>> -> memref<64x128xf32, #tpu.memory_space<vmem_shared>>
    tpu.enqueue_dma source(%arg9 : memref<64x128xf32, #tpu.memory_space<vmem>>) target(%dma_start3A_39 : memref<64x128xf32, #tpu.memory_space<vmem_shared>>) target_semaphore(%arg18 : memref<!tpu.dma_semaphore, #tpu.memory_space<semaphore_mem>>)
    %mul3A_40 = arith.constant 10 : i32
    %mul3A_41 = arith.muli %arg1, %mul3A_40 : i32
    %add3A_42 = arith.constant 4 : i32
    %add3A_43 = arith.addi %mul3A_41, %add3A_42 : i32
    %mul3A_44 = arith.constant 64 : i32
    %mul3A_45 = arith.muli %add3A_43, %mul3A_44 : i32
    %dma_start3A_46 = arith.constant 0 : i32
    %dma_start3A_47 = tpu.memref_slice %arg13[%mul3A_45, %dma_start3A_46] : memref<10240x128xf32, #tpu.memory_space<vmem_shared>> -> memref<64x128xf32, #tpu.memory_space<vmem_shared>>
    %dma_start3A_48 = arith.constant 0 : i32
    %dma_start3A_49 = tpu.memref_slice %arg13[%mul3A_45, %dma_start3A_48] : memref<10240x128xf32, #tpu.memory_space<vmem_shared>> -> memref<64x128xf32, #tpu.memory_space<vmem_shared>>
    tpu.enqueue_dma source(%arg9 : memref<64x128xf32, #tpu.memory_space<vmem>>) target(%dma_start3A_49 : memref<64x128xf32, #tpu.memory_space<vmem_shared>>) target_semaphore(%arg18 : memref<!tpu.dma_semaphore, #tpu.memory_space<semaphore_mem>>)
    %mul3A_50 = arith.constant 10 : i32
    %mul3A_51 = arith.muli %arg1, %mul3A_50 : i32
    %add3A_52 = arith.constant 5 : i32
    %add3A_53 = arith.addi %mul3A_51, %add3A_52 : i32
    %mul3A_54 = arith.constant 64 : i32
    %mul3A_55 = arith.muli %add3A_53, %mul3A_54 : i32
    %dma_start3A_56 = arith.constant 0 : i32
    %dma_start3A_57 = tpu.memref_slice %arg13[%mul3A_55, %dma_start3A_56] : memref<10240x128xf32, #tpu.memory_space<vmem_shared>> -> memref<64x128xf32, #tpu.memory_space<vmem_shared>>
    %dma_start3A_58 = arith.constant 0 : i32
    %dma_start3A_59 = tpu.memref_slice %arg13[%mul3A_55, %dma_start3A_58] : memref<10240x128xf32, #tpu.memory_space<vmem_shared>> -> memref<64x128xf32, #tpu.memory_space<vmem_shared>>
    tpu.enqueue_dma source(%arg9 : memref<64x128xf32, #tpu.memory_space<vmem>>) target(%dma_start3A_59 : memref<64x128xf32, #tpu.memory_space<vmem_shared>>) target_semaphore(%arg18 : memref<!tpu.dma_semaphore, #tpu.memory_space<semaphore_mem>>)
    %mul3A_60 = arith.constant 10 : i32
    %mul3A_61 = arith.muli %arg1, %mul3A_60 : i32
    %add3A_62 = arith.constant 6 : i32
    %add3A_63 = arith.addi %mul3A_61, %add3A_62 : i32
    %mul3A_64 = arith.constant 64 : i32
    %mul3A_65 = arith.muli %add3A_63, %mul3A_64 : i32
    %dma_start3A_66 = arith.constant 0 : i32
    %dma_start3A_67 = tpu.memref_slice %arg13[%mul3A_65, %dma_start3A_66] : memref<10240x128xf32, #tpu.memory_space<vmem_shared>> -> memref<64x128xf32, #tpu.memory_space<vmem_shared>>
    %dma_start3A_68 = arith.constant 0 : i32
    %dma_start3A_69 = tpu.memref_slice %arg13[%mul3A_65, %dma_start3A_68] : memref<10240x128xf32, #tpu.memory_space<vmem_shared>> -> memref<64x128xf32, #tpu.memory_space<vmem_shared>>
    tpu.enqueue_dma source(%arg9 : memref<64x128xf32, #tpu.memory_space<vmem>>) target(%dma_start3A_69 : memref<64x128xf32, #tpu.memory_space<vmem_shared>>) target_semaphore(%arg18 : memref<!tpu.dma_semaphore, #tpu.memory_space<semaphore_mem>>)
    %mul3A_70 = arith.constant 10 : i32
    %mul3A_71 = arith.muli %arg1, %mul3A_70 : i32
    %add3A_72 = arith.constant 7 : i32
    %add3A_73 = arith.addi %mul3A_71, %add3A_72 : i32
    %mul3A_74 = arith.constant 64 : i32
    %mul3A_75 = arith.muli %add3A_73, %mul3A_74 : i32
    %dma_start3A_76 = arith.constant 0 : i32
    %dma_start3A_77 = tpu.memref_slice %arg13[%mul3A_75, %dma_start3A_76] : memref<10240x128xf32, #tpu.memory_space<vmem_shared>> -> memref<64x128xf32, #tpu.memory_space<vmem_shared>>
    %dma_start3A_78 = arith.constant 0 : i32
    %dma_start3A_79 = tpu.memref_slice %arg13[%mul3A_75, %dma_start3A_78] : memref<10240x128xf32, #tpu.memory_space<vmem_shared>> -> memref<64x128xf32, #tpu.memory_space<vmem_shared>>
    tpu.enqueue_dma source(%arg9 : memref<64x128xf32, #tpu.memory_space<vmem>>) target(%dma_start3A_79 : memref<64x128xf32, #tpu.memory_space<vmem_shared>>) target_semaphore(%arg18 : memref<!tpu.dma_semaphore, #tpu.memory_space<semaphore_mem>>)
    %mul3A_80 = arith.constant 10 : i32
    %mul3A_81 = arith.muli %arg1, %mul3A_80 : i32
    %add3A_82 = arith.constant 8 : i32
    %add3A_83 = arith.addi %mul3A_81, %add3A_82 : i32
    %mul3A_84 = arith.constant 64 : i32
    %mul3A_85 = arith.muli %add3A_83, %mul3A_84 : i32
    %dma_start3A_86 = arith.constant 0 : i32
    %dma_start3A_87 = tpu.memref_slice %arg13[%mul3A_85, %dma_start3A_86] : memref<10240x128xf32, #tpu.memory_space<vmem_shared>> -> memref<64x128xf32, #tpu.memory_space<vmem_shared>>
    %dma_start3A_88 = arith.constant 0 : i32
    %dma_start3A_89 = tpu.memref_slice %arg13[%mul3A_85, %dma_start3A_88] : memref<10240x128xf32, #tpu.memory_space<vmem_shared>> -> memref<64x128xf32, #tpu.memory_space<vmem_shared>>
    tpu.enqueue_dma source(%arg9 : memref<64x128xf32, #tpu.memory_space<vmem>>) target(%dma_start3A_89 : memref<64x128xf32, #tpu.memory_space<vmem_shared>>) target_semaphore(%arg18 : memref<!tpu.dma_semaphore, #tpu.memory_space<semaphore_mem>>)
    %mul3A_90 = arith.constant 10 : i32
    %mul3A_91 = arith.muli %arg1, %mul3A_90 : i32
    %add3A_92 = arith.constant 9 : i32
    %add3A_93 = arith.addi %mul3A_91, %add3A_92 : i32
    %mul3A_94 = arith.constant 64 : i32
    %mul3A_95 = arith.muli %add3A_93, %mul3A_94 : i32
    %dma_start3A_96 = arith.constant 0 : i32
    %dma_start3A_97 = tpu.memref_slice %arg13[%mul3A_95, %dma_start3A_96] : memref<10240x128xf32, #tpu.memory_space<vmem_shared>> -> memref<64x128xf32, #tpu.memory_space<vmem_shared>>
    %dma_start3A_98 = arith.constant 0 : i32
    %dma_start3A_99 = tpu.memref_slice %arg13[%mul3A_95, %dma_start3A_98] : memref<10240x128xf32, #tpu.memory_space<vmem_shared>> -> memref<64x128xf32, #tpu.memory_space<vmem_shared>>
    tpu.enqueue_dma source(%arg9 : memref<64x128xf32, #tpu.memory_space<vmem>>) target(%dma_start3A_99 : memref<64x128xf32, #tpu.memory_space<vmem_shared>>) target_semaphore(%arg18 : memref<!tpu.dma_semaphore, #tpu.memory_space<semaphore_mem>>)
    "tpu.region"() ({
      %run_scoped3A = tpu.sem_alloc : memref<!tpu.dma_semaphore, #tpu.memory_space<semaphore_mem>>
      %dma_start3A_251 = arith.constant 0 : i32
      %dma_start3A_252 = arith.constant 0 : i32
      %dma_start3A_253 = tpu.memref_slice %arg3[%add3A, %dma_start3A_251, %dma_start3A_252] : memref<32x40x128xi32, #tpu.memory_space<hbm>> -> memref<1x40x128xi32, #tpu.memory_space<hbm>>
      %dma_start3A_254 = tpu.memref_squeeze %dma_start3A_253 : memref<1x40x128xi32, #tpu.memory_space<hbm>> -> memref<40x128xi32, #tpu.memory_space<hbm>>
      %dma_start3A_255 = arith.constant 0 : i32
      %dma_start3A_256 = arith.constant 0 : i32
      %dma_start3A_257 = tpu.memref_slice %arg3[%add3A, %dma_start3A_255, %dma_start3A_256] : memref<32x40x128xi32, #tpu.memory_space<hbm>> -> memref<1x40x128xi32, #tpu.memory_space<hbm>>
      %dma_start3A_258 = tpu.memref_squeeze %dma_start3A_257 : memref<1x40x128xi32, #tpu.memory_space<hbm>> -> memref<40x128xi32, #tpu.memory_space<hbm>>
      tpu.enqueue_dma source(%dma_start3A_258 : memref<40x128xi32, #tpu.memory_space<hbm>>) target(%arg7 : memref<40x128xi32, #tpu.memory_space<vmem>>) target_semaphore(%run_scoped3A : memref<!tpu.dma_semaphore, #tpu.memory_space<semaphore_mem>>)
      %dma_wait3A_259 = arith.constant 0 : i32
      %dma_wait3A_260 = arith.constant 0 : i32
      %dma_wait3A_261 = tpu.memref_slice %arg3[%add3A, %dma_wait3A_259, %dma_wait3A_260] : memref<32x40x128xi32, #tpu.memory_space<hbm>> -> memref<1x40x128xi32, #tpu.memory_space<hbm>>
      %dma_wait3A_262 = tpu.memref_squeeze %dma_wait3A_261 : memref<1x40x128xi32, #tpu.memory_space<hbm>> -> memref<40x128xi32, #tpu.memory_space<hbm>>
      %dma_wait3A_263 = arith.constant 0 : i32
      %dma_wait3A_264 = arith.constant 0 : i32
      %dma_wait3A_265 = tpu.memref_slice %arg3[%add3A, %dma_wait3A_263, %dma_wait3A_264] : memref<32x40x128xi32, #tpu.memory_space<hbm>> -> memref<1x40x128xi32, #tpu.memory_space<hbm>>
      %dma_wait3A_266 = tpu.memref_squeeze %dma_wait3A_265 : memref<1x40x128xi32, #tpu.memory_space<hbm>> -> memref<40x128xi32, #tpu.memory_space<hbm>>
      tpu.wait_dma2 semaphore(%run_scoped3A : memref<!tpu.dma_semaphore, #tpu.memory_space<semaphore_mem>>) src(%dma_wait3A_266 : memref<40x128xi32, #tpu.memory_space<hbm>>) dst(%arg7 : memref<40x128xi32, #tpu.memory_space<vmem>>)
      tpu.yield
    }) : () -> ()
    "tpu.region"() ({
      %run_scoped3A = tpu.sem_alloc : memref<!tpu.dma_semaphore, #tpu.memory_space<semaphore_mem>>
      %dma_start3A_251 = arith.constant 0 : i32
      %dma_start3A_252 = arith.constant 0 : i32
      %dma_start3A_253 = tpu.memref_slice %arg4[%add3A, %dma_start3A_251, %dma_start3A_252] : memref<32x40x128xi32, #tpu.memory_space<hbm>> -> memref<1x40x128xi32, #tpu.memory_space<hbm>>
      %dma_start3A_254 = tpu.memref_squeeze %dma_start3A_253 : memref<1x40x128xi32, #tpu.memory_space<hbm>> -> memref<40x128xi32, #tpu.memory_space<hbm>>
      %dma_start3A_255 = arith.constant 0 : i32
      %dma_start3A_256 = arith.constant 0 : i32
      %dma_start3A_257 = tpu.memref_slice %arg4[%add3A, %dma_start3A_255, %dma_start3A_256] : memref<32x40x128xi32, #tpu.memory_space<hbm>> -> memref<1x40x128xi32, #tpu.memory_space<hbm>>
      %dma_start3A_258 = tpu.memref_squeeze %dma_start3A_257 : memref<1x40x128xi32, #tpu.memory_space<hbm>> -> memref<40x128xi32, #tpu.memory_space<hbm>>
      tpu.enqueue_dma source(%dma_start3A_258 : memref<40x128xi32, #tpu.memory_space<hbm>>) target(%arg8 : memref<40x128xi32, #tpu.memory_space<vmem>>) target_semaphore(%run_scoped3A : memref<!tpu.dma_semaphore, #tpu.memory_space<semaphore_mem>>)
      %dma_wait3A_259 = arith.constant 0 : i32
      %dma_wait3A_260 = arith.constant 0 : i32
      %dma_wait3A_261 = tpu.memref_slice %arg4[%add3A, %dma_wait3A_259, %dma_wait3A_260] : memref<32x40x128xi32, #tpu.memory_space<hbm>> -> memref<1x40x128xi32, #tpu.memory_space<hbm>>
      %dma_wait3A_262 = tpu.memref_squeeze %dma_wait3A_261 : memref<1x40x128xi32, #tpu.memory_space<hbm>> -> memref<40x128xi32, #tpu.memory_space<hbm>>
      %dma_wait3A_263 = arith.constant 0 : i32
      %dma_wait3A_264 = arith.constant 0 : i32
      %dma_wait3A_265 = tpu.memref_slice %arg4[%add3A, %dma_wait3A_263, %dma_wait3A_264] : memref<32x40x128xi32, #tpu.memory_space<hbm>> -> memref<1x40x128xi32, #tpu.memory_space<hbm>>
      %dma_wait3A_266 = tpu.memref_squeeze %dma_wait3A_265 : memref<1x40x128xi32, #tpu.memory_space<hbm>> -> memref<40x128xi32, #tpu.memory_space<hbm>>
      tpu.wait_dma2 semaphore(%run_scoped3A : memref<!tpu.dma_semaphore, #tpu.memory_space<semaphore_mem>>) src(%dma_wait3A_266 : memref<40x128xi32, #tpu.memory_space<hbm>>) dst(%arg8 : memref<40x128xi32, #tpu.memory_space<vmem>>)
      tpu.yield
    }) : () -> ()
    %dma_start3A_100 = arith.constant 0 : i32
    %dma_start3A_101 = arith.constant 0 : i32
    %dma_start3A_102 = tpu.memref_slice %arg7[%dma_start3A_100, %dma_start3A_101] : memref<40x128xi32, #tpu.memory_space<vmem>> -> memref<1x64xi32, #tpu.memory_space<vmem>>
    %dma_start3A_103 = tpu.memref_squeeze %dma_start3A_102 : memref<1x64xi32, #tpu.memory_space<vmem>> -> memref<64xi32, #tpu.memory_space<vmem>>
    %dma_start3A_104 = arith.constant 0 : i32
    %dma_start3A_105 = arith.constant 0 : i32
    %dma_start3A_106 = tpu.memref_slice %arg2[%dma_start3A_104, %dma_start3A_105] : memref<45056x128xf32, #tpu.memory_space<hbm>> -> memref<45056x128xf32, #tpu.memory_space<hbm>>
    tpu.enqueue_indirect_dma source(%dma_start3A_106 : memref<45056x128xf32, #tpu.memory_space<hbm>>) target(%arg9 : memref<64x128xf32, #tpu.memory_space<vmem>>) offsets(%dma_start3A_103 : memref<64xi32, #tpu.memory_space<vmem>>) semaphore(%arg14 : memref<!tpu.dma_semaphore, #tpu.memory_space<semaphore_mem>>)
    %dma_start3A_107 = arith.constant 0 : i32
    %dma_start3A_108 = arith.constant 64 : i32
    %dma_start3A_109 = tpu.memref_slice %arg7[%dma_start3A_107, %dma_start3A_108] : memref<40x128xi32, #tpu.memory_space<vmem>> -> memref<1x64xi32, #tpu.memory_space<vmem>>
    %dma_start3A_110 = tpu.memref_squeeze %dma_start3A_109 : memref<1x64xi32, #tpu.memory_space<vmem>> -> memref<64xi32, #tpu.memory_space<vmem>>
    %dma_start3A_111 = arith.constant 0 : i32
    %dma_start3A_112 = arith.constant 0 : i32
    %dma_start3A_113 = tpu.memref_slice %arg2[%dma_start3A_111, %dma_start3A_112] : memref<45056x128xf32, #tpu.memory_space<hbm>> -> memref<45056x128xf32, #tpu.memory_space<hbm>>
    tpu.enqueue_indirect_dma source(%dma_start3A_113 : memref<45056x128xf32, #tpu.memory_space<hbm>>) target(%arg10 : memref<64x128xf32, #tpu.memory_space<vmem>>) offsets(%dma_start3A_110 : memref<64xi32, #tpu.memory_space<vmem>>) semaphore(%arg15 : memref<!tpu.dma_semaphore, #tpu.memory_space<semaphore_mem>>)
    "tpu.trace_start"() <{level = 10 : i32, message = "zero_wait"}> : () -> ()
    %mul3A_114 = arith.constant 10 : i32
    %mul3A_115 = arith.muli %arg1, %mul3A_114 : i32
    %add3A_116 = arith.constant 0 : i32
    %add3A_117 = arith.addi %mul3A_115, %add3A_116 : i32
    %mul3A_118 = arith.constant 64 : i32
    %mul3A_119 = arith.muli %add3A_117, %mul3A_118 : i32
    %dma_wait3A = arith.constant 0 : i32
    %dma_wait3A_120 = tpu.memref_slice %arg13[%mul3A_119, %dma_wait3A] : memref<10240x128xf32, #tpu.memory_space<vmem_shared>> -> memref<64x128xf32, #tpu.memory_space<vmem_shared>>
    %dma_wait3A_121 = arith.constant 0 : i32
    %dma_wait3A_122 = tpu.memref_slice %arg13[%mul3A_119, %dma_wait3A_121] : memref<10240x128xf32, #tpu.memory_space<vmem_shared>> -> memref<64x128xf32, #tpu.memory_space<vmem_shared>>
    tpu.wait_dma2 semaphore(%arg18 : memref<!tpu.dma_semaphore, #tpu.memory_space<semaphore_mem>>) src(%arg9 : memref<64x128xf32, #tpu.memory_space<vmem>>) dst(%dma_wait3A_122 : memref<64x128xf32, #tpu.memory_space<vmem_shared>>)
    %mul3A_123 = arith.constant 10 : i32
    %mul3A_124 = arith.muli %arg1, %mul3A_123 : i32
    %add3A_125 = arith.constant 1 : i32
    %add3A_126 = arith.addi %mul3A_124, %add3A_125 : i32
    %mul3A_127 = arith.constant 64 : i32
    %mul3A_128 = arith.muli %add3A_126, %mul3A_127 : i32
    %dma_wait3A_129 = arith.constant 0 : i32
    %dma_wait3A_130 = tpu.memref_slice %arg13[%mul3A_128, %dma_wait3A_129] : memref<10240x128xf32, #tpu.memory_space<vmem_shared>> -> memref<64x128xf32, #tpu.memory_space<vmem_shared>>
    %dma_wait3A_131 = arith.constant 0 : i32
    %dma_wait3A_132 = tpu.memref_slice %arg13[%mul3A_128, %dma_wait3A_131] : memref<10240x128xf32, #tpu.memory_space<vmem_shared>> -> memref<64x128xf32, #tpu.memory_space<vmem_shared>>
    tpu.wait_dma2 semaphore(%arg18 : memref<!tpu.dma_semaphore, #tpu.memory_space<semaphore_mem>>) src(%arg9 : memref<64x128xf32, #tpu.memory_space<vmem>>) dst(%dma_wait3A_132 : memref<64x128xf32, #tpu.memory_space<vmem_shared>>)
    %mul3A_133 = arith.constant 10 : i32
    %mul3A_134 = arith.muli %arg1, %mul3A_133 : i32
    %add3A_135 = arith.constant 2 : i32
    %add3A_136 = arith.addi %mul3A_134, %add3A_135 : i32
    %mul3A_137 = arith.constant 64 : i32
    %mul3A_138 = arith.muli %add3A_136, %mul3A_137 : i32
    %dma_wait3A_139 = arith.constant 0 : i32
    %dma_wait3A_140 = tpu.memref_slice %arg13[%mul3A_138, %dma_wait3A_139] : memref<10240x128xf32, #tpu.memory_space<vmem_shared>> -> memref<64x128xf32, #tpu.memory_space<vmem_shared>>
    %dma_wait3A_141 = arith.constant 0 : i32
    %dma_wait3A_142 = tpu.memref_slice %arg13[%mul3A_138, %dma_wait3A_141] : memref<10240x128xf32, #tpu.memory_space<vmem_shared>> -> memref<64x128xf32, #tpu.memory_space<vmem_shared>>
    tpu.wait_dma2 semaphore(%arg18 : memref<!tpu.dma_semaphore, #tpu.memory_space<semaphore_mem>>) src(%arg9 : memref<64x128xf32, #tpu.memory_space<vmem>>) dst(%dma_wait3A_142 : memref<64x128xf32, #tpu.memory_space<vmem_shared>>)
    %mul3A_143 = arith.constant 10 : i32
    %mul3A_144 = arith.muli %arg1, %mul3A_143 : i32
    %add3A_145 = arith.constant 3 : i32
    %add3A_146 = arith.addi %mul3A_144, %add3A_145 : i32
    %mul3A_147 = arith.constant 64 : i32
    %mul3A_148 = arith.muli %add3A_146, %mul3A_147 : i32
    %dma_wait3A_149 = arith.constant 0 : i32
    %dma_wait3A_150 = tpu.memref_slice %arg13[%mul3A_148, %dma_wait3A_149] : memref<10240x128xf32, #tpu.memory_space<vmem_shared>> -> memref<64x128xf32, #tpu.memory_space<vmem_shared>>
    %dma_wait3A_151 = arith.constant 0 : i32
    %dma_wait3A_152 = tpu.memref_slice %arg13[%mul3A_148, %dma_wait3A_151] : memref<10240x128xf32, #tpu.memory_space<vmem_shared>> -> memref<64x128xf32, #tpu.memory_space<vmem_shared>>
    tpu.wait_dma2 semaphore(%arg18 : memref<!tpu.dma_semaphore, #tpu.memory_space<semaphore_mem>>) src(%arg9 : memref<64x128xf32, #tpu.memory_space<vmem>>) dst(%dma_wait3A_152 : memref<64x128xf32, #tpu.memory_space<vmem_shared>>)
    %mul3A_153 = arith.constant 10 : i32
    %mul3A_154 = arith.muli %arg1, %mul3A_153 : i32
    %add3A_155 = arith.constant 4 : i32
    %add3A_156 = arith.addi %mul3A_154, %add3A_155 : i32
    %mul3A_157 = arith.constant 64 : i32
    %mul3A_158 = arith.muli %add3A_156, %mul3A_157 : i32
    %dma_wait3A_159 = arith.constant 0 : i32
    %dma_wait3A_160 = tpu.memref_slice %arg13[%mul3A_158, %dma_wait3A_159] : memref<10240x128xf32, #tpu.memory_space<vmem_shared>> -> memref<64x128xf32, #tpu.memory_space<vmem_shared>>
    %dma_wait3A_161 = arith.constant 0 : i32
    %dma_wait3A_162 = tpu.memref_slice %arg13[%mul3A_158, %dma_wait3A_161] : memref<10240x128xf32, #tpu.memory_space<vmem_shared>> -> memref<64x128xf32, #tpu.memory_space<vmem_shared>>
    tpu.wait_dma2 semaphore(%arg18 : memref<!tpu.dma_semaphore, #tpu.memory_space<semaphore_mem>>) src(%arg9 : memref<64x128xf32, #tpu.memory_space<vmem>>) dst(%dma_wait3A_162 : memref<64x128xf32, #tpu.memory_space<vmem_shared>>)
    %mul3A_163 = arith.constant 10 : i32
    %mul3A_164 = arith.muli %arg1, %mul3A_163 : i32
    %add3A_165 = arith.constant 5 : i32
    %add3A_166 = arith.addi %mul3A_164, %add3A_165 : i32
    %mul3A_167 = arith.constant 64 : i32
    %mul3A_168 = arith.muli %add3A_166, %mul3A_167 : i32
    %dma_wait3A_169 = arith.constant 0 : i32
    %dma_wait3A_170 = tpu.memref_slice %arg13[%mul3A_168, %dma_wait3A_169] : memref<10240x128xf32, #tpu.memory_space<vmem_shared>> -> memref<64x128xf32, #tpu.memory_space<vmem_shared>>
    %dma_wait3A_171 = arith.constant 0 : i32
    %dma_wait3A_172 = tpu.memref_slice %arg13[%mul3A_168, %dma_wait3A_171] : memref<10240x128xf32, #tpu.memory_space<vmem_shared>> -> memref<64x128xf32, #tpu.memory_space<vmem_shared>>
    tpu.wait_dma2 semaphore(%arg18 : memref<!tpu.dma_semaphore, #tpu.memory_space<semaphore_mem>>) src(%arg9 : memref<64x128xf32, #tpu.memory_space<vmem>>) dst(%dma_wait3A_172 : memref<64x128xf32, #tpu.memory_space<vmem_shared>>)
    %mul3A_173 = arith.constant 10 : i32
    %mul3A_174 = arith.muli %arg1, %mul3A_173 : i32
    %add3A_175 = arith.constant 6 : i32
    %add3A_176 = arith.addi %mul3A_174, %add3A_175 : i32
    %mul3A_177 = arith.constant 64 : i32
    %mul3A_178 = arith.muli %add3A_176, %mul3A_177 : i32
    %dma_wait3A_179 = arith.constant 0 : i32
    %dma_wait3A_180 = tpu.memref_slice %arg13[%mul3A_178, %dma_wait3A_179] : memref<10240x128xf32, #tpu.memory_space<vmem_shared>> -> memref<64x128xf32, #tpu.memory_space<vmem_shared>>
    %dma_wait3A_181 = arith.constant 0 : i32
    %dma_wait3A_182 = tpu.memref_slice %arg13[%mul3A_178, %dma_wait3A_181] : memref<10240x128xf32, #tpu.memory_space<vmem_shared>> -> memref<64x128xf32, #tpu.memory_space<vmem_shared>>
    tpu.wait_dma2 semaphore(%arg18 : memref<!tpu.dma_semaphore, #tpu.memory_space<semaphore_mem>>) src(%arg9 : memref<64x128xf32, #tpu.memory_space<vmem>>) dst(%dma_wait3A_182 : memref<64x128xf32, #tpu.memory_space<vmem_shared>>)
    %mul3A_183 = arith.constant 10 : i32
    %mul3A_184 = arith.muli %arg1, %mul3A_183 : i32
    %add3A_185 = arith.constant 7 : i32
    %add3A_186 = arith.addi %mul3A_184, %add3A_185 : i32
    %mul3A_187 = arith.constant 64 : i32
    %mul3A_188 = arith.muli %add3A_186, %mul3A_187 : i32
    %dma_wait3A_189 = arith.constant 0 : i32
    %dma_wait3A_190 = tpu.memref_slice %arg13[%mul3A_188, %dma_wait3A_189] : memref<10240x128xf32, #tpu.memory_space<vmem_shared>> -> memref<64x128xf32, #tpu.memory_space<vmem_shared>>
    %dma_wait3A_191 = arith.constant 0 : i32
    %dma_wait3A_192 = tpu.memref_slice %arg13[%mul3A_188, %dma_wait3A_191] : memref<10240x128xf32, #tpu.memory_space<vmem_shared>> -> memref<64x128xf32, #tpu.memory_space<vmem_shared>>
    tpu.wait_dma2 semaphore(%arg18 : memref<!tpu.dma_semaphore, #tpu.memory_space<semaphore_mem>>) src(%arg9 : memref<64x128xf32, #tpu.memory_space<vmem>>) dst(%dma_wait3A_192 : memref<64x128xf32, #tpu.memory_space<vmem_shared>>)
    %mul3A_193 = arith.constant 10 : i32
    %mul3A_194 = arith.muli %arg1, %mul3A_193 : i32
    %add3A_195 = arith.constant 8 : i32
    %add3A_196 = arith.addi %mul3A_194, %add3A_195 : i32
    %mul3A_197 = arith.constant 64 : i32
    %mul3A_198 = arith.muli %add3A_196, %mul3A_197 : i32
    %dma_wait3A_199 = arith.constant 0 : i32
    %dma_wait3A_200 = tpu.memref_slice %arg13[%mul3A_198, %dma_wait3A_199] : memref<10240x128xf32, #tpu.memory_space<vmem_shared>> -> memref<64x128xf32, #tpu.memory_space<vmem_shared>>
    %dma_wait3A_201 = arith.constant 0 : i32
    %dma_wait3A_202 = tpu.memref_slice %arg13[%mul3A_198, %dma_wait3A_201] : memref<10240x128xf32, #tpu.memory_space<vmem_shared>> -> memref<64x128xf32, #tpu.memory_space<vmem_shared>>
    tpu.wait_dma2 semaphore(%arg18 : memref<!tpu.dma_semaphore, #tpu.memory_space<semaphore_mem>>) src(%arg9 : memref<64x128xf32, #tpu.memory_space<vmem>>) dst(%dma_wait3A_202 : memref<64x128xf32, #tpu.memory_space<vmem_shared>>)
    %mul3A_203 = arith.constant 10 : i32
    %mul3A_204 = arith.muli %arg1, %mul3A_203 : i32
    %add3A_205 = arith.constant 9 : i32
    %add3A_206 = arith.addi %mul3A_204, %add3A_205 : i32
    %mul3A_207 = arith.constant 64 : i32
    %mul3A_208 = arith.muli %add3A_206, %mul3A_207 : i32
    %dma_wait3A_209 = arith.constant 0 : i32
    %dma_wait3A_210 = tpu.memref_slice %arg13[%mul3A_208, %dma_wait3A_209] : memref<10240x128xf32, #tpu.memory_space<vmem_shared>> -> memref<64x128xf32, #tpu.memory_space<vmem_shared>>
    %dma_wait3A_211 = arith.constant 0 : i32
    %dma_wait3A_212 = tpu.memref_slice %arg13[%mul3A_208, %dma_wait3A_211] : memref<10240x128xf32, #tpu.memory_space<vmem_shared>> -> memref<64x128xf32, #tpu.memory_space<vmem_shared>>
    tpu.wait_dma2 semaphore(%arg18 : memref<!tpu.dma_semaphore, #tpu.memory_space<semaphore_mem>>) src(%arg9 : memref<64x128xf32, #tpu.memory_space<vmem>>) dst(%dma_wait3A_212 : memref<64x128xf32, #tpu.memory_space<vmem_shared>>)
    %barrier3A = arith.constant 0 : index
    tpu.barrier barrier_id(%barrier3A)
    "tpu.trace_stop"() : () -> ()
    "tpu.trace_start"() <{level = 10 : i32, message = "gs_loop"}> : () -> ()
    %scan3A = arith.constant 0 : i32
    %scan3A_213 = arith.constant 0 : i32
    %scan3A_214 = arith.constant 20 : i32
    %scan3A_215 = arith.addi %scan3A_213, %scan3A_214 : i32
    %scan3A_216 = arith.constant 1 : i32
    scf.for %scan3A_251 = %scan3A_213 to %scan3A_215 step %scan3A_216  : i32 {
      %mul3A_252 = arith.constant 2 : i32
      %mul3A_253 = arith.muli %mul3A_252, %scan3A_251 : i32
      %add3A_254 = arith.constant 0 : i32
      %add3A_255 = arith.addi %mul3A_253, %add3A_254 : i32
      %add3A_256 = arith.constant 1 : i32
      %add3A_257 = arith.addi %mul3A_253, %add3A_256 : i32
      %add3A_258 = arith.constant 0 : i32
      %add3A_259 = arith.addi %add3A_257, %add3A_258 : i32
      %gt3A = arith.constant 0 : i32
      %gt3A_260 = arith.cmpi sgt, %scan3A_251, %gt3A : i32
      %convert_element_type3A = arith.extui %gt3A_260 : i1 to i32
      %cond3A = arith.constant 0 : i32
      %cond3A_261 = arith.cmpi ne, %convert_element_type3A, %cond3A : i32
      scf.if %cond3A_261 {
        %dma_wait3A_354 = arith.constant 0 : i32
        %dma_wait3A_355 = tpu.memref_slice %arg8[%add3A_255, %dma_wait3A_354] : memref<40x128xi32, #tpu.memory_space<vmem>> -> memref<1x64xi32, #tpu.memory_space<vmem>>
        %dma_wait3A_356 = tpu.memref_squeeze %dma_wait3A_355 : memref<1x64xi32, #tpu.memory_space<vmem>> -> memref<64xi32, #tpu.memory_space<vmem>>
        %dma_wait3A_357 = arith.constant 0 : i32
        %dma_wait3A_358 = arith.constant 0 : i32
        %dma_wait3A_359 = tpu.memref_slice %arg13[%dma_wait3A_357, %dma_wait3A_358] : memref<10240x128xf32, #tpu.memory_space<vmem_shared>> -> memref<10240x128xf32, #tpu.memory_space<vmem_shared>>
        tpu.wait_indirect_dma semaphore(%arg20 : memref<!tpu.dma_semaphore, #tpu.memory_space<semaphore_mem>>) src(%arg11 : memref<64x128xf32, #tpu.memory_space<vmem>>) dst(%dma_wait3A_359 : memref<10240x128xf32, #tpu.memory_space<vmem_shared>>)
      } else {
      }
      %dma_start3A_262 = arith.constant 0 : i32
      %dma_start3A_263 = tpu.memref_slice %arg7[%add3A_259, %dma_start3A_262] : memref<40x128xi32, #tpu.memory_space<vmem>> -> memref<1x64xi32, #tpu.memory_space<vmem>>
      %dma_start3A_264 = tpu.memref_squeeze %dma_start3A_263 : memref<1x64xi32, #tpu.memory_space<vmem>> -> memref<64xi32, #tpu.memory_space<vmem>>
      %dma_start3A_265 = arith.constant 0 : i32
      %dma_start3A_266 = arith.constant 0 : i32
      %dma_start3A_267 = tpu.memref_slice %arg2[%dma_start3A_265, %dma_start3A_266] : memref<45056x128xf32, #tpu.memory_space<hbm>> -> memref<45056x128xf32, #tpu.memory_space<hbm>>
      tpu.enqueue_indirect_dma source(%dma_start3A_267 : memref<45056x128xf32, #tpu.memory_space<hbm>>) target(%arg11 : memref<64x128xf32, #tpu.memory_space<vmem>>) offsets(%dma_start3A_264 : memref<64xi32, #tpu.memory_space<vmem>>) semaphore(%arg16 : memref<!tpu.dma_semaphore, #tpu.memory_space<semaphore_mem>>)
      %dma_wait3A_268 = arith.constant 0 : i32
      %dma_wait3A_269 = tpu.memref_slice %arg7[%add3A_255, %dma_wait3A_268] : memref<40x128xi32, #tpu.memory_space<vmem>> -> memref<1x64xi32, #tpu.memory_space<vmem>>
      %dma_wait3A_270 = tpu.memref_squeeze %dma_wait3A_269 : memref<1x64xi32, #tpu.memory_space<vmem>> -> memref<64xi32, #tpu.memory_space<vmem>>
      %dma_wait3A_271 = arith.constant 0 : i32
      %dma_wait3A_272 = arith.constant 0 : i32
      %dma_wait3A_273 = tpu.memref_slice %arg2[%dma_wait3A_271, %dma_wait3A_272] : memref<45056x128xf32, #tpu.memory_space<hbm>> -> memref<45056x128xf32, #tpu.memory_space<hbm>>
      tpu.wait_indirect_dma semaphore(%arg14 : memref<!tpu.dma_semaphore, #tpu.memory_space<semaphore_mem>>) src(%dma_wait3A_273 : memref<45056x128xf32, #tpu.memory_space<hbm>>) dst(%arg9 : memref<64x128xf32, #tpu.memory_space<vmem>>)
      %dma_start3A_274 = arith.constant 0 : i32
      %dma_start3A_275 = tpu.memref_slice %arg8[%add3A_255, %dma_start3A_274] : memref<40x128xi32, #tpu.memory_space<vmem>> -> memref<1x64xi32, #tpu.memory_space<vmem>>
      %dma_start3A_276 = tpu.memref_squeeze %dma_start3A_275 : memref<1x64xi32, #tpu.memory_space<vmem>> -> memref<64xi32, #tpu.memory_space<vmem>>
      %dma_start3A_277 = arith.constant 0 : i32
      %dma_start3A_278 = arith.constant 0 : i32
      %dma_start3A_279 = tpu.memref_slice %arg13[%dma_start3A_277, %dma_start3A_278] : memref<10240x128xf32, #tpu.memory_space<vmem_shared>> -> memref<10240x128xf32, #tpu.memory_space<vmem_shared>>
      tpu.enqueue_indirect_dma source(%arg9 : memref<64x128xf32, #tpu.memory_space<vmem>>) target(%dma_start3A_279 : memref<10240x128xf32, #tpu.memory_space<vmem_shared>>) offsets(%dma_start3A_276 : memref<64xi32, #tpu.memory_space<vmem>>) semaphore(%arg18 : memref<!tpu.dma_semaphore, #tpu.memory_space<semaphore_mem>>) {add = true}
      %add3A_280 = arith.constant 0 : i32
      %add3A_281 = arith.addi %mul3A_253, %add3A_280 : i32
      %add3A_282 = arith.constant 1 : i32
      %add3A_283 = arith.addi %mul3A_253, %add3A_282 : i32
      %add3A_284 = arith.constant 0 : i32
      %add3A_285 = arith.addi %add3A_283, %add3A_284 : i32
      %gt3A_286 = arith.constant 0 : i32
      %gt3A_287 = arith.cmpi sgt, %scan3A_251, %gt3A_286 : i32
      %convert_element_type3A_288 = arith.extui %gt3A_287 : i1 to i32
      %cond3A_289 = arith.constant 0 : i32
      %cond3A_290 = arith.cmpi ne, %convert_element_type3A_288, %cond3A_289 : i32
      scf.if %cond3A_290 {
        %dma_wait3A_354 = arith.constant 64 : i32
        %dma_wait3A_355 = tpu.memref_slice %arg8[%add3A_281, %dma_wait3A_354] : memref<40x128xi32, #tpu.memory_space<vmem>> -> memref<1x64xi32, #tpu.memory_space<vmem>>
        %dma_wait3A_356 = tpu.memref_squeeze %dma_wait3A_355 : memref<1x64xi32, #tpu.memory_space<vmem>> -> memref<64xi32, #tpu.memory_space<vmem>>
        %dma_wait3A_357 = arith.constant 0 : i32
        %dma_wait3A_358 = arith.constant 0 : i32
        %dma_wait3A_359 = tpu.memref_slice %arg13[%dma_wait3A_357, %dma_wait3A_358] : memref<10240x128xf32, #tpu.memory_space<vmem_shared>> -> memref<10240x128xf32, #tpu.memory_space<vmem_shared>>
        tpu.wait_indirect_dma semaphore(%arg21 : memref<!tpu.dma_semaphore, #tpu.memory_space<semaphore_mem>>) src(%arg12 : memref<64x128xf32, #tpu.memory_space<vmem>>) dst(%dma_wait3A_359 : memref<10240x128xf32, #tpu.memory_space<vmem_shared>>)
      } else {
      }
      %dma_start3A_291 = arith.constant 64 : i32
      %dma_start3A_292 = tpu.memref_slice %arg7[%add3A_285, %dma_start3A_291] : memref<40x128xi32, #tpu.memory_space<vmem>> -> memref<1x64xi32, #tpu.memory_space<vmem>>
      %dma_start3A_293 = tpu.memref_squeeze %dma_start3A_292 : memref<1x64xi32, #tpu.memory_space<vmem>> -> memref<64xi32, #tpu.memory_space<vmem>>
      %dma_start3A_294 = arith.constant 0 : i32
      %dma_start3A_295 = arith.constant 0 : i32
      %dma_start3A_296 = tpu.memref_slice %arg2[%dma_start3A_294, %dma_start3A_295] : memref<45056x128xf32, #tpu.memory_space<hbm>> -> memref<45056x128xf32, #tpu.memory_space<hbm>>
      tpu.enqueue_indirect_dma source(%dma_start3A_296 : memref<45056x128xf32, #tpu.memory_space<hbm>>) target(%arg12 : memref<64x128xf32, #tpu.memory_space<vmem>>) offsets(%dma_start3A_293 : memref<64xi32, #tpu.memory_space<vmem>>) semaphore(%arg17 : memref<!tpu.dma_semaphore, #tpu.memory_space<semaphore_mem>>)
      %dma_wait3A_297 = arith.constant 64 : i32
      %dma_wait3A_298 = tpu.memref_slice %arg7[%add3A_281, %dma_wait3A_297] : memref<40x128xi32, #tpu.memory_space<vmem>> -> memref<1x64xi32, #tpu.memory_space<vmem>>
      %dma_wait3A_299 = tpu.memref_squeeze %dma_wait3A_298 : memref<1x64xi32, #tpu.memory_space<vmem>> -> memref<64xi32, #tpu.memory_space<vmem>>
      %dma_wait3A_300 = arith.constant 0 : i32
      %dma_wait3A_301 = arith.constant 0 : i32
      %dma_wait3A_302 = tpu.memref_slice %arg2[%dma_wait3A_300, %dma_wait3A_301] : memref<45056x128xf32, #tpu.memory_space<hbm>> -> memref<45056x128xf32, #tpu.memory_space<hbm>>
      tpu.wait_indirect_dma semaphore(%arg15 : memref<!tpu.dma_semaphore, #tpu.memory_space<semaphore_mem>>) src(%dma_wait3A_302 : memref<45056x128xf32, #tpu.memory_space<hbm>>) dst(%arg10 : memref<64x128xf32, #tpu.memory_space<vmem>>)
      %dma_start3A_303 = arith.constant 64 : i32
      %dma_start3A_304 = tpu.memref_slice %arg8[%add3A_281, %dma_start3A_303] : memref<40x128xi32, #tpu.memory_space<vmem>> -> memref<1x64xi32, #tpu.memory_space<vmem>>
      %dma_start3A_305 = tpu.memref_squeeze %dma_start3A_304 : memref<1x64xi32, #tpu.memory_space<vmem>> -> memref<64xi32, #tpu.memory_space<vmem>>
      %dma_start3A_306 = arith.constant 0 : i32
      %dma_start3A_307 = arith.constant 0 : i32
      %dma_start3A_308 = tpu.memref_slice %arg13[%dma_start3A_306, %dma_start3A_307] : memref<10240x128xf32, #tpu.memory_space<vmem_shared>> -> memref<10240x128xf32, #tpu.memory_space<vmem_shared>>
      tpu.enqueue_indirect_dma source(%arg10 : memref<64x128xf32, #tpu.memory_space<vmem>>) target(%dma_start3A_308 : memref<10240x128xf32, #tpu.memory_space<vmem_shared>>) offsets(%dma_start3A_305 : memref<64xi32, #tpu.memory_space<vmem>>) semaphore(%arg19 : memref<!tpu.dma_semaphore, #tpu.memory_space<semaphore_mem>>) {add = true}
      %add3A_309 = arith.constant 1 : i32
      %add3A_310 = arith.addi %mul3A_253, %add3A_309 : i32
      %add3A_311 = arith.constant 1 : i32
      %add3A_312 = arith.addi %mul3A_253, %add3A_311 : i32
      %add3A_313 = arith.constant 1 : i32
      %add3A_314 = arith.addi %add3A_312, %add3A_313 : i32
      %lt3A = arith.constant 19 : i32
      %lt3A_315 = arith.cmpi slt, %scan3A_251, %lt3A : i32
      %convert_element_type3A_316 = arith.extui %lt3A_315 : i1 to i32
      %cond3A_317 = arith.constant 0 : i32
      %cond3A_318 = arith.cmpi ne, %convert_element_type3A_316, %cond3A_317 : i32
      scf.if %cond3A_318 {
        %dma_wait3A_354 = arith.constant 0 : i32
        %dma_wait3A_355 = tpu.memref_slice %arg8[%add3A_310, %dma_wait3A_354] : memref<40x128xi32, #tpu.memory_space<vmem>> -> memref<1x64xi32, #tpu.memory_space<vmem>>
        %dma_wait3A_356 = tpu.memref_squeeze %dma_wait3A_355 : memref<1x64xi32, #tpu.memory_space<vmem>> -> memref<64xi32, #tpu.memory_space<vmem>>
        %dma_wait3A_357 = arith.constant 0 : i32
        %dma_wait3A_358 = arith.constant 0 : i32
        %dma_wait3A_359 = tpu.memref_slice %arg13[%dma_wait3A_357, %dma_wait3A_358] : memref<10240x128xf32, #tpu.memory_space<vmem_shared>> -> memref<10240x128xf32, #tpu.memory_space<vmem_shared>>
        tpu.wait_indirect_dma semaphore(%arg18 : memref<!tpu.dma_semaphore, #tpu.memory_space<semaphore_mem>>) src(%arg9 : memref<64x128xf32, #tpu.memory_space<vmem>>) dst(%dma_wait3A_359 : memref<10240x128xf32, #tpu.memory_space<vmem_shared>>)
        %dma_start3A_360 = arith.constant 0 : i32
        %dma_start3A_361 = tpu.memref_slice %arg7[%add3A_314, %dma_start3A_360] : memref<40x128xi32, #tpu.memory_space<vmem>> -> memref<1x64xi32, #tpu.memory_space<vmem>>
        %dma_start3A_362 = tpu.memref_squeeze %dma_start3A_361 : memref<1x64xi32, #tpu.memory_space<vmem>> -> memref<64xi32, #tpu.memory_space<vmem>>
        %dma_start3A_363 = arith.constant 0 : i32
        %dma_start3A_364 = arith.constant 0 : i32
        %dma_start3A_365 = tpu.memref_slice %arg2[%dma_start3A_363, %dma_start3A_364] : memref<45056x128xf32, #tpu.memory_space<hbm>> -> memref<45056x128xf32, #tpu.memory_space<hbm>>
        tpu.enqueue_indirect_dma source(%dma_start3A_365 : memref<45056x128xf32, #tpu.memory_space<hbm>>) target(%arg9 : memref<64x128xf32, #tpu.memory_space<vmem>>) offsets(%dma_start3A_362 : memref<64xi32, #tpu.memory_space<vmem>>) semaphore(%arg14 : memref<!tpu.dma_semaphore, #tpu.memory_space<semaphore_mem>>)
      } else {
      }
      %dma_wait3A_319 = arith.constant 0 : i32
      %dma_wait3A_320 = tpu.memref_slice %arg7[%add3A_310, %dma_wait3A_319] : memref<40x128xi32, #tpu.memory_space<vmem>> -> memref<1x64xi32, #tpu.memory_space<vmem>>
      %dma_wait3A_321 = tpu.memref_squeeze %dma_wait3A_320 : memref<1x64xi32, #tpu.memory_space<vmem>> -> memref<64xi32, #tpu.memory_space<vmem>>
      %dma_wait3A_322 = arith.constant 0 : i32
      %dma_wait3A_323 = arith.constant 0 : i32
      %dma_wait3A_324 = tpu.memref_slice %arg2[%dma_wait3A_322, %dma_wait3A_323] : memref<45056x128xf32, #tpu.memory_space<hbm>> -> memref<45056x128xf32, #tpu.memory_space<hbm>>
      tpu.wait_indirect_dma semaphore(%arg16 : memref<!tpu.dma_semaphore, #tpu.memory_space<semaphore_mem>>) src(%dma_wait3A_324 : memref<45056x128xf32, #tpu.memory_space<hbm>>) dst(%arg11 : memref<64x128xf32, #tpu.memory_space<vmem>>)
      %dma_start3A_325 = arith.constant 0 : i32
      %dma_start3A_326 = tpu.memref_slice %arg8[%add3A_310, %dma_start3A_325] : memref<40x128xi32, #tpu.memory_space<vmem>> -> memref<1x64xi32, #tpu.memory_space<vmem>>
      %dma_start3A_327 = tpu.memref_squeeze %dma_start3A_326 : memref<1x64xi32, #tpu.memory_space<vmem>> -> memref<64xi32, #tpu.memory_space<vmem>>
      %dma_start3A_328 = arith.constant 0 : i32
      %dma_start3A_329 = arith.constant 0 : i32
      %dma_start3A_330 = tpu.memref_slice %arg13[%dma_start3A_328, %dma_start3A_329] : memref<10240x128xf32, #tpu.memory_space<vmem_shared>> -> memref<10240x128xf32, #tpu.memory_space<vmem_shared>>
      tpu.enqueue_indirect_dma source(%arg11 : memref<64x128xf32, #tpu.memory_space<vmem>>) target(%dma_start3A_330 : memref<10240x128xf32, #tpu.memory_space<vmem_shared>>) offsets(%dma_start3A_327 : memref<64xi32, #tpu.memory_space<vmem>>) semaphore(%arg20 : memref<!tpu.dma_semaphore, #tpu.memory_space<semaphore_mem>>) {add = true}
      %add3A_331 = arith.constant 1 : i32
      %add3A_332 = arith.addi %mul3A_253, %add3A_331 : i32
      %add3A_333 = arith.constant 1 : i32
      %add3A_334 = arith.addi %mul3A_253, %add3A_333 : i32
      %add3A_335 = arith.constant 1 : i32
      %add3A_336 = arith.addi %add3A_334, %add3A_335 : i32
      %lt3A_337 = arith.constant 19 : i32
      %lt3A_338 = arith.cmpi slt, %scan3A_251, %lt3A_337 : i32
      %convert_element_type3A_339 = arith.extui %lt3A_338 : i1 to i32
      %cond3A_340 = arith.constant 0 : i32
      %cond3A_341 = arith.cmpi ne, %convert_element_type3A_339, %cond3A_340 : i32
      scf.if %cond3A_341 {
        %dma_wait3A_354 = arith.constant 64 : i32
        %dma_wait3A_355 = tpu.memref_slice %arg8[%add3A_332, %dma_wait3A_354] : memref<40x128xi32, #tpu.memory_space<vmem>> -> memref<1x64xi32, #tpu.memory_space<vmem>>
        %dma_wait3A_356 = tpu.memref_squeeze %dma_wait3A_355 : memref<1x64xi32, #tpu.memory_space<vmem>> -> memref<64xi32, #tpu.memory_space<vmem>>
        %dma_wait3A_357 = arith.constant 0 : i32
        %dma_wait3A_358 = arith.constant 0 : i32
        %dma_wait3A_359 = tpu.memref_slice %arg13[%dma_wait3A_357, %dma_wait3A_358] : memref<10240x128xf32, #tpu.memory_space<vmem_shared>> -> memref<10240x128xf32, #tpu.memory_space<vmem_shared>>
        tpu.wait_indirect_dma semaphore(%arg19 : memref<!tpu.dma_semaphore, #tpu.memory_space<semaphore_mem>>) src(%arg10 : memref<64x128xf32, #tpu.memory_space<vmem>>) dst(%dma_wait3A_359 : memref<10240x128xf32, #tpu.memory_space<vmem_shared>>)
        %dma_start3A_360 = arith.constant 64 : i32
        %dma_start3A_361 = tpu.memref_slice %arg7[%add3A_336, %dma_start3A_360] : memref<40x128xi32, #tpu.memory_space<vmem>> -> memref<1x64xi32, #tpu.memory_space<vmem>>
        %dma_start3A_362 = tpu.memref_squeeze %dma_start3A_361 : memref<1x64xi32, #tpu.memory_space<vmem>> -> memref<64xi32, #tpu.memory_space<vmem>>
        %dma_start3A_363 = arith.constant 0 : i32
        %dma_start3A_364 = arith.constant 0 : i32
        %dma_start3A_365 = tpu.memref_slice %arg2[%dma_start3A_363, %dma_start3A_364] : memref<45056x128xf32, #tpu.memory_space<hbm>> -> memref<45056x128xf32, #tpu.memory_space<hbm>>
        tpu.enqueue_indirect_dma source(%dma_start3A_365 : memref<45056x128xf32, #tpu.memory_space<hbm>>) target(%arg10 : memref<64x128xf32, #tpu.memory_space<vmem>>) offsets(%dma_start3A_362 : memref<64xi32, #tpu.memory_space<vmem>>) semaphore(%arg15 : memref<!tpu.dma_semaphore, #tpu.memory_space<semaphore_mem>>)
      } else {
      }
      %dma_wait3A_342 = arith.constant 64 : i32
      %dma_wait3A_343 = tpu.memref_slice %arg7[%add3A_332, %dma_wait3A_342] : memref<40x128xi32, #tpu.memory_space<vmem>> -> memref<1x64xi32, #tpu.memory_space<vmem>>
      %dma_wait3A_344 = tpu.memref_squeeze %dma_wait3A_343 : memref<1x64xi32, #tpu.memory_space<vmem>> -> memref<64xi32, #tpu.memory_space<vmem>>
      %dma_wait3A_345 = arith.constant 0 : i32
      %dma_wait3A_346 = arith.constant 0 : i32
      %dma_wait3A_347 = tpu.memref_slice %arg2[%dma_wait3A_345, %dma_wait3A_346] : memref<45056x128xf32, #tpu.memory_space<hbm>> -> memref<45056x128xf32, #tpu.memory_space<hbm>>
      tpu.wait_indirect_dma semaphore(%arg17 : memref<!tpu.dma_semaphore, #tpu.memory_space<semaphore_mem>>) src(%dma_wait3A_347 : memref<45056x128xf32, #tpu.memory_space<hbm>>) dst(%arg12 : memref<64x128xf32, #tpu.memory_space<vmem>>)
      %dma_start3A_348 = arith.constant 64 : i32
      %dma_start3A_349 = tpu.memref_slice %arg8[%add3A_332, %dma_start3A_348] : memref<40x128xi32, #tpu.memory_space<vmem>> -> memref<1x64xi32, #tpu.memory_space<vmem>>
      %dma_start3A_350 = tpu.memref_squeeze %dma_start3A_349 : memref<1x64xi32, #tpu.memory_space<vmem>> -> memref<64xi32, #tpu.memory_space<vmem>>
      %dma_start3A_351 = arith.constant 0 : i32
      %dma_start3A_352 = arith.constant 0 : i32
      %dma_start3A_353 = tpu.memref_slice %arg13[%dma_start3A_351, %dma_start3A_352] : memref<10240x128xf32, #tpu.memory_space<vmem_shared>> -> memref<10240x128xf32, #tpu.memory_space<vmem_shared>>
      tpu.enqueue_indirect_dma source(%arg12 : memref<64x128xf32, #tpu.memory_space<vmem>>) target(%dma_start3A_353 : memref<10240x128xf32, #tpu.memory_space<vmem_shared>>) offsets(%dma_start3A_350 : memref<64xi32, #tpu.memory_space<vmem>>) semaphore(%arg21 : memref<!tpu.dma_semaphore, #tpu.memory_space<semaphore_mem>>) {add = true}
    }
    %scan3A_217 = arith.constant 20 : i32
    %dma_wait3A_218 = arith.constant 38 : i32
    %dma_wait3A_219 = arith.constant 0 : i32
    %dma_wait3A_220 = tpu.memref_slice %arg8[%dma_wait3A_218, %dma_wait3A_219] : memref<40x128xi32, #tpu.memory_space<vmem>> -> memref<1x64xi32, #tpu.memory_space<vmem>>
    %dma_wait3A_221 = tpu.memref_squeeze %dma_wait3A_220 : memref<1x64xi32, #tpu.memory_space<vmem>> -> memref<64xi32, #tpu.memory_space<vmem>>
    %dma_wait3A_222 = arith.constant 0 : i32
    %dma_wait3A_223 = arith.constant 0 : i32
    %dma_wait3A_224 = tpu.memref_slice %arg13[%dma_wait3A_222, %dma_wait3A_223] : memref<10240x128xf32, #tpu.memory_space<vmem_shared>> -> memref<10240x128xf32, #tpu.memory_space<vmem_shared>>
    tpu.wait_indirect_dma semaphore(%arg18 : memref<!tpu.dma_semaphore, #tpu.memory_space<semaphore_mem>>) src(%arg9 : memref<64x128xf32, #tpu.memory_space<vmem>>) dst(%dma_wait3A_224 : memref<10240x128xf32, #tpu.memory_space<vmem_shared>>)
    %dma_wait3A_225 = arith.constant 38 : i32
    %dma_wait3A_226 = arith.constant 64 : i32
    %dma_wait3A_227 = tpu.memref_slice %arg8[%dma_wait3A_225, %dma_wait3A_226] : memref<40x128xi32, #tpu.memory_space<vmem>> -> memref<1x64xi32, #tpu.memory_space<vmem>>
    %dma_wait3A_228 = tpu.memref_squeeze %dma_wait3A_227 : memref<1x64xi32, #tpu.memory_space<vmem>> -> memref<64xi32, #tpu.memory_space<vmem>>
    %dma_wait3A_229 = arith.constant 0 : i32
    %dma_wait3A_230 = arith.constant 0 : i32
    %dma_wait3A_231 = tpu.memref_slice %arg13[%dma_wait3A_229, %dma_wait3A_230] : memref<10240x128xf32, #tpu.memory_space<vmem_shared>> -> memref<10240x128xf32, #tpu.memory_space<vmem_shared>>
    tpu.wait_indirect_dma semaphore(%arg19 : memref<!tpu.dma_semaphore, #tpu.memory_space<semaphore_mem>>) src(%arg10 : memref<64x128xf32, #tpu.memory_space<vmem>>) dst(%dma_wait3A_231 : memref<10240x128xf32, #tpu.memory_space<vmem_shared>>)
    %dma_wait3A_232 = arith.constant 39 : i32
    %dma_wait3A_233 = arith.constant 0 : i32
    %dma_wait3A_234 = tpu.memref_slice %arg8[%dma_wait3A_232, %dma_wait3A_233] : memref<40x128xi32, #tpu.memory_space<vmem>> -> memref<1x64xi32, #tpu.memory_space<vmem>>
    %dma_wait3A_235 = tpu.memref_squeeze %dma_wait3A_234 : memref<1x64xi32, #tpu.memory_space<vmem>> -> memref<64xi32, #tpu.memory_space<vmem>>
    %dma_wait3A_236 = arith.constant 0 : i32
    %dma_wait3A_237 = arith.constant 0 : i32
    %dma_wait3A_238 = tpu.memref_slice %arg13[%dma_wait3A_236, %dma_wait3A_237] : memref<10240x128xf32, #tpu.memory_space<vmem_shared>> -> memref<10240x128xf32, #tpu.memory_space<vmem_shared>>
    tpu.wait_indirect_dma semaphore(%arg20 : memref<!tpu.dma_semaphore, #tpu.memory_space<semaphore_mem>>) src(%arg11 : memref<64x128xf32, #tpu.memory_space<vmem>>) dst(%dma_wait3A_238 : memref<10240x128xf32, #tpu.memory_space<vmem_shared>>)
    %dma_wait3A_239 = arith.constant 39 : i32
    %dma_wait3A_240 = arith.constant 64 : i32
    %dma_wait3A_241 = tpu.memref_slice %arg8[%dma_wait3A_239, %dma_wait3A_240] : memref<40x128xi32, #tpu.memory_space<vmem>> -> memref<1x64xi32, #tpu.memory_space<vmem>>
    %dma_wait3A_242 = tpu.memref_squeeze %dma_wait3A_241 : memref<1x64xi32, #tpu.memory_space<vmem>> -> memref<64xi32, #tpu.memory_space<vmem>>
    %dma_wait3A_243 = arith.constant 0 : i32
    %dma_wait3A_244 = arith.constant 0 : i32
    %dma_wait3A_245 = tpu.memref_slice %arg13[%dma_wait3A_243, %dma_wait3A_244] : memref<10240x128xf32, #tpu.memory_space<vmem_shared>> -> memref<10240x128xf32, #tpu.memory_space<vmem_shared>>
    tpu.wait_indirect_dma semaphore(%arg21 : memref<!tpu.dma_semaphore, #tpu.memory_space<semaphore_mem>>) src(%arg12 : memref<64x128xf32, #tpu.memory_space<vmem>>) dst(%dma_wait3A_245 : memref<10240x128xf32, #tpu.memory_space<vmem_shared>>)
    "tpu.trace_stop"() : () -> ()
    "tpu.trace_start"() <{level = 10 : i32, message = "post_barrier"}> : () -> ()
    %barrier3A_246 = arith.constant 0 : index
    tpu.barrier barrier_id(%barrier3A_246)
    "tpu.trace_stop"() : () -> ()
    "tpu.trace_start"() <{level = 10 : i32, message = "copyout"}> : () -> ()
    %mul3A_247 = arith.constant 640 : i32
    %mul3A_248 = arith.muli %arg1, %mul3A_247 : i32
    %mul3A_249 = arith.constant 640 : i32
    %mul3A_250 = arith.muli %arg1, %mul3A_249 : i32
    "tpu.region"() ({
      %run_scoped3A = tpu.sem_alloc : memref<!tpu.dma_semaphore, #tpu.memory_space<semaphore_mem>>
      %dma_start3A_251 = arith.constant 0 : i32
      %dma_start3A_252 = tpu.memref_slice %arg6[%arg0, %mul3A_250, %dma_start3A_251] : memref<2x10240x128xf32, #tpu.memory_space<hbm>> -> memref<1x640x128xf32, #tpu.memory_space<hbm>>
      %dma_start3A_253 = tpu.memref_squeeze %dma_start3A_252 : memref<1x640x128xf32, #tpu.memory_space<hbm>> -> memref<640x128xf32, #tpu.memory_space<hbm>>
      %dma_start3A_254 = arith.constant 0 : i32
      %dma_start3A_255 = tpu.memref_slice %arg13[%mul3A_248, %dma_start3A_254] : memref<10240x128xf32, #tpu.memory_space<vmem_shared>> -> memref<640x128xf32, #tpu.memory_space<vmem_shared>>
      tpu.enqueue_dma source(%dma_start3A_255 : memref<640x128xf32, #tpu.memory_space<vmem_shared>>) target(%dma_start3A_253 : memref<640x128xf32, #tpu.memory_space<hbm>>) target_semaphore(%run_scoped3A : memref<!tpu.dma_semaphore, #tpu.memory_space<semaphore_mem>>)
      %dma_wait3A_256 = arith.constant 0 : i32
      %dma_wait3A_257 = tpu.memref_slice %arg6[%arg0, %mul3A_250, %dma_wait3A_256] : memref<2x10240x128xf32, #tpu.memory_space<hbm>> -> memref<1x640x128xf32, #tpu.memory_space<hbm>>
      %dma_wait3A_258 = tpu.memref_squeeze %dma_wait3A_257 : memref<1x640x128xf32, #tpu.memory_space<hbm>> -> memref<640x128xf32, #tpu.memory_space<hbm>>
      %dma_wait3A_259 = arith.constant 0 : i32
      %dma_wait3A_260 = tpu.memref_slice %arg13[%mul3A_248, %dma_wait3A_259] : memref<10240x128xf32, #tpu.memory_space<vmem_shared>> -> memref<640x128xf32, #tpu.memory_space<vmem_shared>>
      tpu.wait_dma2 semaphore(%run_scoped3A : memref<!tpu.dma_semaphore, #tpu.memory_space<semaphore_mem>>) src(%dma_wait3A_260 : memref<640x128xf32, #tpu.memory_space<vmem_shared>>) dst(%dma_wait3A_258 : memref<640x128xf32, #tpu.memory_space<hbm>>)
      tpu.yield
    }) : () -> ()
    "tpu.trace_stop"() : () -> ()
    return
  }
}

module attributes {stable_mosaic.version = 14 : i64} {
  func.func @_add_body(%arg0: i32, %arg1: memref<2x2000x128xf32, #tpu.memory_space<vmem>>, %arg2: memref<2000x128xf32, #tpu.memory_space<vmem>>) attributes {dimension_semantics = [#tpu.dimension_semantics<arbitrary>], iteration_bounds = array<i64: 5>, scalar_prefetch = 0 : i64, scratch_operands = 0 : i64, tpu.core_type = #tpu.core_type<tc>, window_params = [{transform_indices = @transform_0, window_bounds = array<i64: 2, 2000, 128>}, {transform_indices = @transform_1, window_bounds = array<i64: 2000, 128>}]} {
    %get3A = arith.constant 0 : index
    %get3A_0 = arith.constant 0 : index
    %get3A_1 = arith.constant 0 : index
    %get3A_2 = vector.load %arg1[%get3A, %get3A_0, %get3A_1] : memref<2x2000x128xf32, #tpu.memory_space<vmem>>, vector<1x2000x128xf32>
    %get3A_3 = vector.shape_cast %get3A_2 : vector<1x2000x128xf32> to vector<2000x128xf32>
    %get3A_4 = arith.constant 1 : index
    %get3A_5 = arith.constant 0 : index
    %get3A_6 = arith.constant 0 : index
    %get3A_7 = vector.load %arg1[%get3A_4, %get3A_5, %get3A_6] : memref<2x2000x128xf32, #tpu.memory_space<vmem>>, vector<1x2000x128xf32>
    %get3A_8 = vector.shape_cast %get3A_7 : vector<1x2000x128xf32> to vector<2000x128xf32>
    %add3A = arith.addf %get3A_3, %get3A_8 : vector<2000x128xf32>
    %swap3A = arith.constant 0 : index
    %swap3A_9 = arith.constant 0 : index
    %swap3A_10 = vector.load %arg2[%swap3A, %swap3A_9] : memref<2000x128xf32, #tpu.memory_space<vmem>>, vector<2000x128xf32>
    tpu.vector_store %arg2[%swap3A, %swap3A_9], %add3A {strides = array<i32>} : memref<2000x128xf32, #tpu.memory_space<vmem>>, vector<2000x128xf32>,
    return
  }
  func.func @transform_0(%arg0: i32) -> (i32, i32, i32) {
    %c0_i32 = arith.constant 0 : i32
    %c0_i32_0 = arith.constant 0 : i32
    %c0_i32_1 = arith.constant 0 : i32
    return %c0_i32, %arg0, %c0_i32_0 : i32, i32, i32
  }
  func.func @transform_1(%arg0: i32) -> (i32, i32) {
    %c0_i32 = arith.constant 0 : i32
    %c0_i32_0 = arith.constant 0 : i32
    return %arg0, %c0_i32 : i32, i32
  }
}

module attributes {stable_mosaic.version = 14 : i64} {
  func.func @_mm_body(%arg0: i32, %arg1: memref<4x4xf32, #tpu.memory_space<vmem>>, %arg2: memref<4x128x128xf32, #tpu.memory_space<vmem>>, %arg3: memref<4x128xf32, #tpu.memory_space<vmem>>, %arg4: memref<1024x128xf32, #tpu.memory_space<vmem>>, %arg5: memref<2x1250x128xi32, #tpu.memory_space<vmem>>, %arg6: memref<1250x128xi32, #tpu.memory_space<vmem>>, %arg7: memref<4096x128xf32, #tpu.memory_space<vmem>>, %arg8: memref<1280x128xi32, #tpu.memory_space<vmem>>, %arg9: memref<1280x128xi32, #tpu.memory_space<vmem>>, %arg10: memref<4x128x128xf32, #tpu.memory_space<vmem>>, %arg11: memref<4x128xf32, #tpu.memory_space<vmem>>) attributes {dimension_semantics = [#tpu.dimension_semantics<arbitrary>], iteration_bounds = array<i64: 11>, scalar_prefetch = 0 : i64, scratch_operands = 2 : i64, tpu.core_type = #tpu.core_type<tc>, window_params = [{pipeline_mode = #tpu.pipeline_mode<synchronous>, transform_indices = @transform_0, window_bounds = array<i64: 4, 4>}, {pipeline_mode = #tpu.pipeline_mode<synchronous>, transform_indices = @transform_1, window_bounds = array<i64: 4, 128, 128>}, {pipeline_mode = #tpu.pipeline_mode<synchronous>, transform_indices = @transform_2, window_bounds = array<i64: 4, 128>}, {transform_indices = @transform_3, window_bounds = array<i64: 1024, 128>}, {pipeline_mode = #tpu.pipeline_mode<synchronous>, transform_indices = @transform_4, window_bounds = array<i64: 2, 1250, 128>}, {pipeline_mode = #tpu.pipeline_mode<synchronous>, transform_indices = @transform_5, window_bounds = array<i64: 1250, 128>}, {transform_indices = @transform_6, window_bounds = array<i64: 4096, 128>}, {pipeline_mode = #tpu.pipeline_mode<synchronous>, transform_indices = @transform_7, window_bounds = array<i64: 1280, 128>}, {pipeline_mode = #tpu.pipeline_mode<synchronous>, transform_indices = @transform_8, window_bounds = array<i64: 1280, 128>}]} {
    %eq3A = arith.constant 0 : i32
    %eq3A_0 = arith.cmpi eq, %arg0, %eq3A : i32
    %convert_element_type3A = arith.extui %eq3A_0 : i1 to i32
    %cond3A = arith.constant 0 : i32
    %cond3A_1 = arith.cmpi ne, %convert_element_type3A, %cond3A : i32
    scf.if %cond3A_1 {
      %get3A = arith.constant 0 : index
      %get3A_16 = arith.constant 0 : index
      %get3A_17 = arith.constant 0 : index
      %get3A_18 = vector.load %arg5[%get3A, %get3A_16, %get3A_17] : memref<2x1250x128xi32, #tpu.memory_space<vmem>>, vector<1x1250x128xi32>
      %get3A_19 = vector.shape_cast %get3A_18 : vector<1x1250x128xi32> to vector<1250x128xi32>
      %get3A_20 = arith.constant 1 : index
      %get3A_21 = arith.constant 0 : index
      %get3A_22 = arith.constant 0 : index
      %get3A_23 = vector.load %arg5[%get3A_20, %get3A_21, %get3A_22] : memref<2x1250x128xi32, #tpu.memory_space<vmem>>, vector<1x1250x128xi32>
      %get3A_24 = vector.shape_cast %get3A_23 : vector<1x1250x128xi32> to vector<1250x128xi32>
      %get3A_25 = arith.constant 0 : index
      %get3A_26 = arith.constant 0 : index
      %get3A_27 = vector.load %arg6[%get3A_25, %get3A_26] : memref<1250x128xi32, #tpu.memory_space<vmem>>, vector<1250x128xi32>
      %shift_right_arithmetic3A = arith.constant 10 : i32
      %shift_right_arithmetic3A_28 = vector.broadcast %shift_right_arithmetic3A : i32 to vector<1250x128xi32>
      %shift_right_arithmetic3A_29 = arith.shrsi %get3A_19, %shift_right_arithmetic3A_28 : vector<1250x128xi32>
      %shift_left3A = arith.constant 12 : i32
      %shift_left3A_30 = vector.broadcast %shift_left3A : i32 to vector<1250x128xi32>
      %shift_left3A_31 = arith.shli %shift_right_arithmetic3A_29, %shift_left3A_30 : vector<1250x128xi32>
      %shift_left3A_32 = arith.constant 10 : i32
      %shift_left3A_33 = vector.broadcast %shift_left3A_32 : i32 to vector<1250x128xi32>
      %shift_left3A_34 = arith.shli %get3A_27, %shift_left3A_33 : vector<1250x128xi32>
      %or3A = arith.ori %shift_left3A_31, %shift_left3A_34 : vector<1250x128xi32>
      %and3A = arith.constant 1023 : i32
      %and3A_35 = vector.broadcast %and3A : i32 to vector<1250x128xi32>
      %and3A_36 = arith.andi %get3A_19, %and3A_35 : vector<1250x128xi32>
      %or3A_37 = arith.ori %or3A, %and3A_36 : vector<1250x128xi32>
      %iota3A = tpu.iota {dimensions = array<i32: 0>} : vector<32x128xi32>
      %iota3A_38 = tpu.iota {dimensions = array<i32: 1>} : vector<32x128xi32>
      %add3A = arith.constant 1248 : i32
      %add3A_39 = vector.broadcast %add3A : i32 to vector<32x128xi32>
      %add3A_40 = arith.addi %add3A_39, %iota3A : vector<32x128xi32>
      %mul3A = arith.constant 128 : i32
      %mul3A_41 = vector.broadcast %mul3A : i32 to vector<32x128xi32>
      %mul3A_42 = arith.muli %add3A_40, %mul3A_41 : vector<32x128xi32>
      %add3A_43 = arith.addi %mul3A_42, %iota3A_38 : vector<32x128xi32>
      %sub3A = arith.constant 160000 : i32
      %sub3A_44 = vector.broadcast %sub3A : i32 to vector<32x128xi32>
      %sub3A_45 = arith.subi %add3A_43, %sub3A_44 : vector<32x128xi32>
      %and3A_46 = arith.constant 4095 : i32
      %and3A_47 = vector.broadcast %and3A_46 : i32 to vector<32x128xi32>
      %and3A_48 = arith.andi %sub3A_45, %and3A_47 : vector<32x128xi32>
      %add3A_49 = arith.constant 40960 : i32
      %add3A_50 = vector.broadcast %add3A_49 : i32 to vector<32x128xi32>
      %add3A_51 = arith.addi %add3A_50, %and3A_48 : vector<32x128xi32>
      %add3A_52 = arith.constant 10000 : i32
      %add3A_53 = vector.broadcast %add3A_52 : i32 to vector<32x128xi32>
      %add3A_54 = arith.addi %sub3A_45, %add3A_53 : vector<32x128xi32>
      %rem3A = arith.constant 10000 : i32
      %rem3A_55 = vector.broadcast %rem3A : i32 to vector<32x128xi32>
      %rem3A_56 = arith.remsi %add3A_54, %rem3A_55 : vector<32x128xi32>
      %slice3A = vector.extract_strided_slice %or3A_37 {offsets = [0, 0], sizes = [1248, 128], strides = [1, 1]} : vector<1250x128xi32> to vector<1248x128xi32>
      %swap3A = arith.constant 0 : index
      %swap3A_57 = arith.constant 0 : index
      %swap3A_58 = vector.load %arg8[%swap3A, %swap3A_57] : memref<1280x128xi32, #tpu.memory_space<vmem>>, vector<1248x128xi32>
      tpu.vector_store %arg8[%swap3A, %swap3A_57], %slice3A {strides = array<i32>} : memref<1280x128xi32, #tpu.memory_space<vmem>>, vector<1248x128xi32>,
      %slice3A_59 = vector.extract_strided_slice %get3A_24 {offsets = [0, 0], sizes = [1248, 128], strides = [1, 1]} : vector<1250x128xi32> to vector<1248x128xi32>
      %swap3A_60 = arith.constant 0 : index
      %swap3A_61 = arith.constant 0 : index
      %swap3A_62 = vector.load %arg9[%swap3A_60, %swap3A_61] : memref<1280x128xi32, #tpu.memory_space<vmem>>, vector<1248x128xi32>
      tpu.vector_store %arg9[%swap3A_60, %swap3A_61], %slice3A_59 {strides = array<i32>} : memref<1280x128xi32, #tpu.memory_space<vmem>>, vector<1248x128xi32>,
      %lt3A_63 = arith.constant 2 : i32
      %lt3A_64 = vector.broadcast %lt3A_63 : i32 to vector<32x128xi32>
      %lt3A_65 = arith.cmpi slt, %iota3A, %lt3A_64 : vector<32x128xi32>
      %slice3A_66 = vector.extract_strided_slice %or3A_37 {offsets = [1248, 0], sizes = [2, 128], strides = [1, 1]} : vector<1250x128xi32> to vector<2x128xi32>
      %slice3A_67 = vector.extract_strided_slice %add3A_51 {offsets = [2, 0], sizes = [30, 128], strides = [1, 1]} : vector<32x128xi32> to vector<30x128xi32>
      %concatenate3A = tpu.concatenate %slice3A_66, %slice3A_67 in 0 : vector<2x128xi32>, vector<30x128xi32> -> vector<32x128xi32>
      %select_n3A = arith.select %lt3A_65, %concatenate3A, %add3A_51 : vector<32x128xi1>, vector<32x128xi32>
      %swap3A_68 = arith.constant 1248 : index
      %swap3A_69 = arith.constant 0 : index
      %swap3A_70 = vector.load %arg8[%swap3A_68, %swap3A_69] : memref<1280x128xi32, #tpu.memory_space<vmem>>, vector<32x128xi32>
      tpu.vector_store %arg8[%swap3A_68, %swap3A_69], %select_n3A {strides = array<i32>} : memref<1280x128xi32, #tpu.memory_space<vmem>>, vector<32x128xi32>,
      %lt3A_71 = arith.constant 2 : i32
      %lt3A_72 = vector.broadcast %lt3A_71 : i32 to vector<32x128xi32>
      %lt3A_73 = arith.cmpi slt, %iota3A, %lt3A_72 : vector<32x128xi32>
      %slice3A_74 = vector.extract_strided_slice %get3A_24 {offsets = [1248, 0], sizes = [2, 128], strides = [1, 1]} : vector<1250x128xi32> to vector<2x128xi32>
      %slice3A_75 = vector.extract_strided_slice %rem3A_56 {offsets = [2, 0], sizes = [30, 128], strides = [1, 1]} : vector<32x128xi32> to vector<30x128xi32>
      %concatenate3A_76 = tpu.concatenate %slice3A_74, %slice3A_75 in 0 : vector<2x128xi32>, vector<30x128xi32> -> vector<32x128xi32>
      %select_n3A_77 = arith.select %lt3A_73, %concatenate3A_76, %rem3A_56 : vector<32x128xi1>, vector<32x128xi32>
      %swap3A_78 = arith.constant 1248 : index
      %swap3A_79 = arith.constant 0 : index
      %swap3A_80 = vector.load %arg9[%swap3A_78, %swap3A_79] : memref<1280x128xi32, #tpu.memory_space<vmem>>, vector<32x128xi32>
      tpu.vector_store %arg9[%swap3A_78, %swap3A_79], %select_n3A_77 {strides = array<i32>} : memref<1280x128xi32, #tpu.memory_space<vmem>>, vector<32x128xi32>,
    } else {
    }
    %eq3A_2 = arith.constant 0 : i32
    %eq3A_3 = arith.cmpi eq, %arg0, %eq3A_2 : i32
    %convert_element_type3A_4 = arith.extui %eq3A_3 : i1 to i32
    %cond3A_5 = arith.constant 0 : i32
    %cond3A_6 = arith.cmpi ne, %convert_element_type3A_4, %cond3A_5 : i32
    scf.if %cond3A_6 {
      %get3A = arith.constant 0 : index
      %get3A_16 = arith.constant 0 : index
      %get3A_17 = vector.load %arg1[%get3A, %get3A_16] : memref<4x4xf32, #tpu.memory_space<vmem>>, vector<4x4xf32>
      %reduce_max3A = arith.constant dense<0xFF800000> : vector<4xf32>
      %reduce_max3A_18 = vector.multi_reduction <maximumf>, %get3A_17, %reduce_max3A [1] : vector<4x4xf32> to vector<4xf32>
      %broadcast_in_dim3A = vector.shape_cast %reduce_max3A_18 : vector<4xf32> to vector<4x1xf32>
      %sub3A = vector.broadcast %broadcast_in_dim3A : vector<4x1xf32> to vector<4x4xf32>
      %sub3A_19 = arith.subf %get3A_17, %sub3A : vector<4x4xf32>
      %exp3A = math.exp %sub3A_19 : vector<4x4xf32>
      %reduce_sum3A = arith.constant dense<0.000000e+00> : vector<4xf32>
      %reduce_sum3A_20 = vector.multi_reduction <add>, %exp3A, %reduce_sum3A [1] : vector<4x4xf32> to vector<4xf32>
      %broadcast_in_dim3A_21 = vector.shape_cast %reduce_sum3A_20 : vector<4xf32> to vector<4x1xf32>
      %div3A = vector.broadcast %broadcast_in_dim3A_21 : vector<4x1xf32> to vector<4x4xf32>
      %div3A_22 = arith.divf %exp3A, %div3A : vector<4x4xf32>
      %get3A_23 = arith.constant 0 : index
      %get3A_24 = arith.constant 0 : index
      %get3A_25 = arith.constant 0 : index
      %get3A_26 = vector.load %arg2[%get3A_23, %get3A_24, %get3A_25] : memref<4x128x128xf32, #tpu.memory_space<vmem>>, vector<4x128x128xf32>
      %reshape3A = vector.shape_cast %get3A_26 : vector<4x128x128xf32> to vector<4x16384xf32>
      %dot_general3A = arith.constant dense<0.000000e+00> : vector<4x16384xf32>
      %dot_general3A_27 = tpu.matmul %div3A_22, %reshape3A, %dot_general3A {dimension_numbers = #tpu.dot_dimension_numbers<[1], [0], [0], [1], [0, 0, 1, 1], [], []>, transpose_lhs_hint = false} : vector<4x4xf32>, vector<4x16384xf32>, vector<4x16384xf32> -> vector<4x16384xf32>
      %reshape3A_28 = vector.shape_cast %dot_general3A_27 : vector<4x16384xf32> to vector<4x128x128xf32>
      %swap3A = arith.constant 0 : index
      %swap3A_29 = arith.constant 0 : index
      %swap3A_30 = arith.constant 0 : index
      %swap3A_31 = vector.load %arg10[%swap3A, %swap3A_29, %swap3A_30] : memref<4x128x128xf32, #tpu.memory_space<vmem>>, vector<4x128x128xf32>
      tpu.vector_store %arg10[%swap3A, %swap3A_29, %swap3A_30], %reshape3A_28 {strides = array<i32>} : memref<4x128x128xf32, #tpu.memory_space<vmem>>, vector<4x128x128xf32>,
      %get3A_32 = arith.constant 0 : index
      %get3A_33 = arith.constant 0 : index
      %get3A_34 = vector.load %arg3[%get3A_32, %get3A_33] : memref<4x128xf32, #tpu.memory_space<vmem>>, vector<4x128xf32>
      %dot_general3A_35 = arith.constant dense<0.000000e+00> : vector<4x128xf32>
      %dot_general3A_36 = tpu.matmul %div3A_22, %get3A_34, %dot_general3A_35 {dimension_numbers = #tpu.dot_dimension_numbers<[1], [0], [0], [1], [0, 0, 1, 1], [], []>, transpose_lhs_hint = false} : vector<4x4xf32>, vector<4x128xf32>, vector<4x128xf32> -> vector<4x128xf32>
      %swap3A_37 = arith.constant 0 : index
      %swap3A_38 = arith.constant 0 : index
      %swap3A_39 = vector.load %arg11[%swap3A_37, %swap3A_38] : memref<4x128xf32, #tpu.memory_space<vmem>>, vector<4x128xf32>
      tpu.vector_store %arg11[%swap3A_37, %swap3A_38], %dot_general3A_36 {strides = array<i32>} : memref<4x128xf32, #tpu.memory_space<vmem>>, vector<4x128xf32>,
    } else {
    }
    %eq3A_7 = arith.constant 10 : i32
    %eq3A_8 = arith.cmpi eq, %arg0, %eq3A_7 : i32
    %convert_element_type3A_9 = arith.extui %eq3A_8 : i1 to i32
    %cond3A_10 = arith.constant 0 : i32
    %cond3A_11 = arith.cmpi ne, %convert_element_type3A_9, %cond3A_10 : i32
    scf.if %cond3A_11 {
      %broadcast_in_dim3A = arith.constant 0.000000e+00 : f32
      %broadcast_in_dim3A_16 = vector.broadcast %broadcast_in_dim3A : f32 to vector<4096x128xf32>
      %swap3A = arith.constant 0 : index
      %swap3A_17 = arith.constant 0 : index
      %swap3A_18 = vector.load %arg7[%swap3A, %swap3A_17] : memref<4096x128xf32, #tpu.memory_space<vmem>>, vector<4096x128xf32>
      tpu.vector_store %arg7[%swap3A, %swap3A_17], %broadcast_in_dim3A_16 {strides = array<i32>} : memref<4096x128xf32, #tpu.memory_space<vmem>>, vector<4096x128xf32>,
    } else {
    }
    %lt3A = arith.constant 10 : i32
    %lt3A_12 = arith.cmpi slt, %arg0, %lt3A : i32
    %convert_element_type3A_13 = arith.extui %lt3A_12 : i1 to i32
    %cond3A_14 = arith.constant 0 : i32
    %cond3A_15 = arith.cmpi ne, %convert_element_type3A_13, %cond3A_14 : i32
    scf.if %cond3A_15 {
      %get3A = arith.constant 0 : index
      %get3A_16 = arith.constant 0 : index
      %get3A_17 = vector.load %arg4[%get3A, %get3A_16] : memref<1024x128xf32, #tpu.memory_space<vmem>>, vector<1024x128xf32>
      %get3A_18 = arith.constant 0 : index
      %get3A_19 = arith.constant 0 : index
      %get3A_20 = arith.constant 0 : index
      %get3A_21 = vector.load %arg10[%get3A_18, %get3A_19, %get3A_20] : memref<4x128x128xf32, #tpu.memory_space<vmem>>, vector<1x128x128xf32>
      %get3A_22 = vector.shape_cast %get3A_21 : vector<1x128x128xf32> to vector<128x128xf32>
      %dot_general3A = arith.constant dense<0.000000e+00> : vector<1024x128xf32>
      %dot_general3A_23 = tpu.matmul %get3A_17, %get3A_22, %dot_general3A {dimension_numbers = #tpu.dot_dimension_numbers<[1], [1], [0], [0], [0, 0, 1, 0], [], []>, transpose_lhs_hint = false} : vector<1024x128xf32>, vector<128x128xf32>, vector<1024x128xf32> -> vector<1024x128xf32>
      %get3A_24 = arith.constant 0 : index
      %get3A_25 = arith.constant 0 : index
      %get3A_26 = vector.load %arg11[%get3A_24, %get3A_25] : memref<4x128xf32, #tpu.memory_space<vmem>>, vector<1x128xf32>
      %get3A_27 = vector.shape_cast %get3A_26 : vector<1x128xf32> to vector<128xf32>
      %broadcast_in_dim3A = vector.shape_cast %get3A_27 : vector<128xf32> to vector<1x128xf32>
      %add3A = vector.broadcast %broadcast_in_dim3A : vector<1x128xf32> to vector<1024x128xf32>
      %add3A_28 = arith.addf %dot_general3A_23, %add3A : vector<1024x128xf32>
      %swap3A = arith.constant 0 : index
      %swap3A_29 = arith.constant 0 : index
      %swap3A_30 = vector.load %arg7[%swap3A, %swap3A_29] : memref<4096x128xf32, #tpu.memory_space<vmem>>, vector<1024x128xf32>
      tpu.vector_store %arg7[%swap3A, %swap3A_29], %add3A_28 {strides = array<i32>} : memref<4096x128xf32, #tpu.memory_space<vmem>>, vector<1024x128xf32>,
      %get3A_31 = arith.constant 1 : index
      %get3A_32 = arith.constant 0 : index
      %get3A_33 = arith.constant 0 : index
      %get3A_34 = vector.load %arg10[%get3A_31, %get3A_32, %get3A_33] : memref<4x128x128xf32, #tpu.memory_space<vmem>>, vector<1x128x128xf32>
      %get3A_35 = vector.shape_cast %get3A_34 : vector<1x128x128xf32> to vector<128x128xf32>
      %dot_general3A_36 = arith.constant dense<0.000000e+00> : vector<1024x128xf32>
      %dot_general3A_37 = tpu.matmul %get3A_17, %get3A_35, %dot_general3A_36 {dimension_numbers = #tpu.dot_dimension_numbers<[1], [1], [0], [0], [0, 0, 1, 0], [], []>, transpose_lhs_hint = false} : vector<1024x128xf32>, vector<128x128xf32>, vector<1024x128xf32> -> vector<1024x128xf32>
      %get3A_38 = arith.constant 1 : index
      %get3A_39 = arith.constant 0 : index
      %get3A_40 = vector.load %arg11[%get3A_38, %get3A_39] : memref<4x128xf32, #tpu.memory_space<vmem>>, vector<1x128xf32>
      %get3A_41 = vector.shape_cast %get3A_40 : vector<1x128xf32> to vector<128xf32>
      %broadcast_in_dim3A_42 = vector.shape_cast %get3A_41 : vector<128xf32> to vector<1x128xf32>
      %add3A_43 = vector.broadcast %broadcast_in_dim3A_42 : vector<1x128xf32> to vector<1024x128xf32>
      %add3A_44 = arith.addf %dot_general3A_37, %add3A_43 : vector<1024x128xf32>
      %swap3A_45 = arith.constant 1024 : index
      %swap3A_46 = arith.constant 0 : index
      %swap3A_47 = vector.load %arg7[%swap3A_45, %swap3A_46] : memref<4096x128xf32, #tpu.memory_space<vmem>>, vector<1024x128xf32>
      tpu.vector_store %arg7[%swap3A_45, %swap3A_46], %add3A_44 {strides = array<i32>} : memref<4096x128xf32, #tpu.memory_space<vmem>>, vector<1024x128xf32>,
      %get3A_48 = arith.constant 2 : index
      %get3A_49 = arith.constant 0 : index
      %get3A_50 = arith.constant 0 : index
      %get3A_51 = vector.load %arg10[%get3A_48, %get3A_49, %get3A_50] : memref<4x128x128xf32, #tpu.memory_space<vmem>>, vector<1x128x128xf32>
      %get3A_52 = vector.shape_cast %get3A_51 : vector<1x128x128xf32> to vector<128x128xf32>
      %dot_general3A_53 = arith.constant dense<0.000000e+00> : vector<1024x128xf32>
      %dot_general3A_54 = tpu.matmul %get3A_17, %get3A_52, %dot_general3A_53 {dimension_numbers = #tpu.dot_dimension_numbers<[1], [1], [0], [0], [0, 0, 1, 0], [], []>, transpose_lhs_hint = false} : vector<1024x128xf32>, vector<128x128xf32>, vector<1024x128xf32> -> vector<1024x128xf32>
      %get3A_55 = arith.constant 2 : index
      %get3A_56 = arith.constant 0 : index
      %get3A_57 = vector.load %arg11[%get3A_55, %get3A_56] : memref<4x128xf32, #tpu.memory_space<vmem>>, vector<1x128xf32>
      %get3A_58 = vector.shape_cast %get3A_57 : vector<1x128xf32> to vector<128xf32>
      %broadcast_in_dim3A_59 = vector.shape_cast %get3A_58 : vector<128xf32> to vector<1x128xf32>
      %add3A_60 = vector.broadcast %broadcast_in_dim3A_59 : vector<1x128xf32> to vector<1024x128xf32>
      %add3A_61 = arith.addf %dot_general3A_54, %add3A_60 : vector<1024x128xf32>
      %swap3A_62 = arith.constant 2048 : index
      %swap3A_63 = arith.constant 0 : index
      %swap3A_64 = vector.load %arg7[%swap3A_62, %swap3A_63] : memref<4096x128xf32, #tpu.memory_space<vmem>>, vector<1024x128xf32>
      tpu.vector_store %arg7[%swap3A_62, %swap3A_63], %add3A_61 {strides = array<i32>} : memref<4096x128xf32, #tpu.memory_space<vmem>>, vector<1024x128xf32>,
      %get3A_65 = arith.constant 3 : index
      %get3A_66 = arith.constant 0 : index
      %get3A_67 = arith.constant 0 : index
      %get3A_68 = vector.load %arg10[%get3A_65, %get3A_66, %get3A_67] : memref<4x128x128xf32, #tpu.memory_space<vmem>>, vector<1x128x128xf32>
      %get3A_69 = vector.shape_cast %get3A_68 : vector<1x128x128xf32> to vector<128x128xf32>
      %dot_general3A_70 = arith.constant dense<0.000000e+00> : vector<1024x128xf32>
      %dot_general3A_71 = tpu.matmul %get3A_17, %get3A_69, %dot_general3A_70 {dimension_numbers = #tpu.dot_dimension_numbers<[1], [1], [0], [0], [0, 0, 1, 0], [], []>, transpose_lhs_hint = false} : vector<1024x128xf32>, vector<128x128xf32>, vector<1024x128xf32> -> vector<1024x128xf32>
      %get3A_72 = arith.constant 3 : index
      %get3A_73 = arith.constant 0 : index
      %get3A_74 = vector.load %arg11[%get3A_72, %get3A_73] : memref<4x128xf32, #tpu.memory_space<vmem>>, vector<1x128xf32>
      %get3A_75 = vector.shape_cast %get3A_74 : vector<1x128xf32> to vector<128xf32>
      %broadcast_in_dim3A_76 = vector.shape_cast %get3A_75 : vector<128xf32> to vector<1x128xf32>
      %add3A_77 = vector.broadcast %broadcast_in_dim3A_76 : vector<1x128xf32> to vector<1024x128xf32>
      %add3A_78 = arith.addf %dot_general3A_71, %add3A_77 : vector<1024x128xf32>
      %swap3A_79 = arith.constant 3072 : index
      %swap3A_80 = arith.constant 0 : index
      %swap3A_81 = vector.load %arg7[%swap3A_79, %swap3A_80] : memref<4096x128xf32, #tpu.memory_space<vmem>>, vector<1024x128xf32>
      tpu.vector_store %arg7[%swap3A_79, %swap3A_80], %add3A_78 {strides = array<i32>} : memref<4096x128xf32, #tpu.memory_space<vmem>>, vector<1024x128xf32>,
    } else {
    }
    return
  }
  func.func @transform_0(%arg0: i32) -> (i32, i32) {
    %c0_i32 = arith.constant 0 : i32
    %c0_i32_0 = arith.constant 0 : i32
    %c0_i32_1 = arith.constant 0 : i32
    return %c0_i32, %c0_i32_0 : i32, i32
  }
  func.func @transform_1(%arg0: i32) -> (i32, i32, i32) {
    %c0_i32 = arith.constant 0 : i32
    %c0_i32_0 = arith.constant 0 : i32
    %c0_i32_1 = arith.constant 0 : i32
    %c0_i32_2 = arith.constant 0 : i32
    return %c0_i32, %c0_i32_0, %c0_i32_1 : i32, i32, i32
  }
  func.func @transform_2(%arg0: i32) -> (i32, i32) {
    %c0_i32 = arith.constant 0 : i32
    %c0_i32_0 = arith.constant 0 : i32
    %c0_i32_1 = arith.constant 0 : i32
    return %c0_i32, %c0_i32_0 : i32, i32
  }
  func.func @transform_3(%arg0: i32) -> (i32, i32) {
    %min3A = arith.constant 9 : i32
    %min3A_0 = arith.minsi %arg0, %min3A : i32
    %c0_i32 = arith.constant 0 : i32
    %c0_i32_1 = arith.constant 0 : i32
    return %min3A_0, %c0_i32 : i32, i32
  }
  func.func @transform_4(%arg0: i32) -> (i32, i32, i32) {
    %c0_i32 = arith.constant 0 : i32
    %c0_i32_0 = arith.constant 0 : i32
    %c0_i32_1 = arith.constant 0 : i32
    %c0_i32_2 = arith.constant 0 : i32
    return %c0_i32, %c0_i32_0, %c0_i32_1 : i32, i32, i32
  }
  func.func @transform_5(%arg0: i32) -> (i32, i32) {
    %c0_i32 = arith.constant 0 : i32
    %c0_i32_0 = arith.constant 0 : i32
    %c0_i32_1 = arith.constant 0 : i32
    return %c0_i32, %c0_i32_0 : i32, i32
  }
  func.func @transform_6(%arg0: i32) -> (i32, i32) {
    %c0_i32 = arith.constant 0 : i32
    %c0_i32_0 = arith.constant 0 : i32
    return %arg0, %c0_i32 : i32, i32
  }
  func.func @transform_7(%arg0: i32) -> (i32, i32) {
    %c0_i32 = arith.constant 0 : i32
    %c0_i32_0 = arith.constant 0 : i32
    %c0_i32_1 = arith.constant 0 : i32
    return %c0_i32, %c0_i32_0 : i32, i32
  }
  func.func @transform_8(%arg0: i32) -> (i32, i32) {
    %c0_i32 = arith.constant 0 : i32
    %c0_i32_0 = arith.constant 0 : i32
    %c0_i32_1 = arith.constant 0 : i32
    return %c0_i32, %c0_i32_0 : i32, i32
  }
}

</mosaic_0001>

<sc_bundles>
// kernel: kernel.5.cloned.1.call-start
scs
__scs_entry_jumppad:
0x0: {  	(pc) =	sbr.rel $0x88, $3  }
0x1: {  	(tag) =	ssettag $0x0;
	lr =	simm.s32 $0x1  }
0x2: {  	[smem:$0x3F9B] =	sst lr;
	_ =	strace $0xD0000000  }
0x3: {  	_ = 	snop  }
0x4: {  	_ = 	snop  }
0x5: {  	_ = 	snop  }
0x6: {  	_ = 	snop  }
0x7: {  	_ = 	snop  }
__scs_overlays_trampoline_lowered:
0x8: {  	[smem:$0x3FAA] =	sst s0  }
0x9: {  	[smem:$0x3FAB] =	sst s1  }
0xa: {  	[smem:$0x3FAC] =	sst s2  }
0xb: {  	[smem:$0x3FAD] =	sst s3  }
0xc: {  	[smem:$0x3FAE] =	sst s4  }
0xd: {  	[smem:$0x3FAF] =	sst s5  }
0xe: {  	[smem:$0x3FB0] =	sst s6  }
0xf: {  	[smem:$0x3FB1] =	sst s7  }
0x10: {  	[smem:$0x3FB2] =	sst s8  }
0x11: {  	[smem:$0x3FB3] =	sst s9;
	s0 =	simm.s32 @!p0 $0x0  }
0x12: {  	s1 =	sld [smem:$0x3F99];
	s0 =	simm.s32 @p0 $0x1  }
0x13: {  	[smem:$0x3FB4] =	sst s0;
	s0 =	simm.s32 @!p1 $0x0  }
0x14: {  	s2 =	sld [smem:$0x3F98];
	s0 =	simm.s32 @p1 $0x1  }
0x15: {  	[smem:$0x3FB5] =	sst s0;
	s0 =	simm.s32 @!p2 $0x0  }
0x16: {  	s3 =	sld [smem:$0x3FDB];
	s0 =	simm.s32 @p2 $0x1  }
0x17: {  	s4 =	simm.s32 $0x1BF5;
	[smem:$0x3FB7] =	sst s0  }
0x18: {  	s0 =	sld [smem:$0x3F9A];
	_ =	swait.ge [sflag:s4], $0x0  }
0x19: {  	s7 =	sld [smem:$0x3F9B]  }
0x1a: {  	s8 =	sadd.s32 $0xFFFFE003, lr  }
0x1b: {  	s9 =	sadd.s32 $0xFFFFFEF7, lr;
	s5 =	simm.s32 $0xFFFFFFFF;
	p2 =	slt.u32 s8, $0xFFFFF086  }
0x1c: {  	p1 =	slt.u32 s9, $0xF7A;
	s5 =	simm.s32 @!p2 $0x0  }
0x1d: {  	s5 =	simm.s32 @p1 $0x1;
	p0 =	seq.s32 s7, s2  }
0x1e: {  	s7 =	smul.u32 @!p0 $0xF7A, s2;
	p2 =	seq.s32 @!p0 s5, $0x0  }
0x1f: {  	s9 =	smul.u32 $0xF7A, s1;
	s8 =	simm.s32 @!p0 $0x1BF5;
	p2 =	por !p2, p0  }
0x20: {  	[sflag:s8] =	ssyncset.s32 @!p0 $0xFFFFF086;
	s6 =	sadd.s32 @!p0 s3, s7;
	s7 =	simm.s32 @!p0 $0x108  }
0x21: {  	s3 =	sadd.s32 s3, s9;
	s6 =	sadd.s32 @!p0 $0x88, s6;
	s7 =	simm.s32 @p2 $0x1082  }
0x22: {  	[simem:s7], [sflag:s8] =	dma.local @!p0 [hbm:s6], $0xF7A  }
0x23: {  	s9 =	sor.u32 $0xD0000000, s2;
	s6 =	simm.s32 $0x108;
	_ =	swait.ge @!p0 [sflag:s8], $0x0  }
0x24: {  	s3 =	sadd.s32 $0x88, s3;
	s6 =	simm.s32 @!p1 $0x1082;
	[sflag:s4] =	ssyncset.s32 $0xFFFFF086  }
0x25: {  	[simem:s6], [sflag:s4] =	dma.local [hbm:s3], $0xF7A  }
0x26: {  	[smem:$0x3F9B] =	sst s1;
	(tag) =	ssettag s2;
	_ =	strace s9  }
0x27: {  	s1 =	sld [smem:$0x3FAB]  }
0x28: {  	s2 =	sld [smem:$0x3FAC]  }
0x29: {  	s4 =	sld [smem:$0x3FAE]  }
0x2a: {  	p0 =	seq.s32 s5, $0x0;
	s5 =	sld [smem:$0x3FAF]  }
0x2b: {  	s6 =	sld [smem:$0x3FB0]  }
0x2c: {  	s7 =	sld [smem:$0x3FB1]  }
0x2d: {  	s3 =	simm.s32 $0x108;
	s8 =	sld [smem:$0x3FB2]  }
0x2e: {  	s3 =	simm.s32 @!p0 $0x1082;
	s9 =	sld [smem:$0x3FB3]  }
0x2f: {  	lr =	sadd.s32 s0, s3;
	s0 =	sld [smem:$0x3FAA]  }
0x30: {  	s3 =	sld [smem:$0x3FAD]  }
0x31: {  	[smem:$0x3FB6] =	sst s10  }
0x32: {  	s10 =	sld [smem:$0x3FB4];
	_ =	sdelay $0x3  }
0x33: {  	p0 =	seq.s32 s10, $0x1;
	s10 =	sld [smem:$0x3FB6];
	_ =	sdelay $0x3  }
0x34: {  	[smem:$0x3FB6] =	sst s10  }
0x35: {  	s10 =	sld [smem:$0x3FB5];
	_ =	sdelay $0x3  }
0x36: {  	p1 =	seq.s32 s10, $0x1;
	s10 =	sld [smem:$0x3FB6];
	_ =	sdelay $0x3  }
0x37: {  	[smem:$0x3FB6] =	sst s10  }
0x38: {  	s10 =	sld [smem:$0x3FB7]  }
0x39: {  	_ = 	snop;
	(pc) =	sbr.ind lr, $3  }
0x3a: {  	_ = 	snop  }
0x3b: {  	_ = 	snop  }
0x3c: {  	p2 =	seq.s32 s10, $0x1;
	s10 =	sld [smem:$0x3FB6]  }
0x3d: {  	_ =	shalt  }
0x3e: {  	_ =	shalt  }
0x3f: {  	_ =	shalt  }
0x40: {  	_ =	shalt  }
0x41: {  	_ =	shalt  }
0x42: {  	_ =	shalt  }
0x43: {  	_ =	shalt  }
0x44: {  	_ =	shalt  }
0x45: {  	_ =	shalt  }
0x46: {  	_ =	shalt  }
0x47: {  	_ =	shalt  }
0x48: {  	_ =	shalt  }
0x49: {  	_ =	shalt  }
0x4a: {  	_ =	shalt  }
0x4b: {  	_ =	shalt  }
0x4c: {  	_ =	shalt  }
0x4d: {  	_ =	shalt  }
0x4e: {  	_ =	shalt  }
0x4f: {  	_ =	shalt  }
0x50: {  	_ =	shalt  }
0x51: {  	_ =	shalt  }
0x52: {  	_ =	shalt  }
0x53: {  	_ =	shalt  }
0x54: {  	_ =	shalt  }
0x55: {  	_ =	shalt  }
0x56: {  	_ =	shalt  }
0x57: {  	_ =	shalt  }
0x58: {  	_ =	shalt  }
0x59: {  	_ =	shalt  }
0x5a: {  	_ =	shalt  }
0x5b: {  	_ =	shalt  }
0x5c: {  	_ =	shalt  }
0x5d: {  	_ =	shalt  }
0x5e: {  	_ =	shalt  }
0x5f: {  	_ =	shalt  }
0x60: {  	_ =	shalt  }
0x61: {  	_ =	shalt  }
0x62: {  	_ =	shalt  }
0x63: {  	_ =	shalt  }
0x64: {  	_ =	shalt  }
0x65: {  	_ =	shalt  }
0x66: {  	_ =	shalt  }
0x67: {  	_ =	shalt  }
0x68: {  	_ =	shalt  }
0x69: {  	_ =	shalt  }
0x6a: {  	_ =	shalt  }
0x6b: {  	_ =	shalt  }
0x6c: {  	_ =	shalt  }
0x6d: {  	_ =	shalt  }
0x6e: {  	_ =	shalt  }
0x6f: {  	_ =	shalt  }
0x70: {  	_ =	shalt  }
0x71: {  	_ =	shalt  }
0x72: {  	_ =	shalt  }
0x73: {  	_ =	shalt  }
0x74: {  	_ =	shalt  }
0x75: {  	_ =	shalt  }
0x76: {  	_ =	shalt  }
0x77: {  	_ =	shalt  }
0x78: {  	_ =	shalt  }
0x79: {  	_ =	shalt  }
0x7a: {  	_ =	shalt  }
0x7b: {  	_ =	shalt  }
0x7c: {  	_ =	shalt  }
0x7d: {  	_ =	shalt  }
0x7e: {  	_ =	shalt  }
0x7f: {  	_ =	shalt  }
0x80: {  	_ =	shalt  }
0x81: {  	_ =	shalt  }
0x82: {  	_ =	shalt  }
0x83: {  	_ =	shalt  }
0x84: {  	_ =	shalt  }
0x85: {  	_ =	shalt  }
0x86: {  	_ =	shalt  }
0x87: {  	_ =	shalt  }
.Lfunc_end0:
.L_simem_size_0:
called_computation_lowered:
.L_overlay_start_0:
0x88: {  	s2 =	sld [smem:$0x3FD9]  }
0x89: {  	s3 =	sld [smem:$0x3FFE];
	_ =	sdelay $0x1  }
0x8a: {  	s1 =	srdreg.scid  }
0x8b: {  	s0 =	sand.u32 $0x1, s1  }
0x8c: {  	s17 =	sshll.u32 s0, $0xA;
	s2 =	sadd.s32 s3, s2  }
0x8d: {  	s2 =	sadd.s32 s2, s17  }
0x8e: {  	[smem:$0x3FC2] =	sst s2  }
0x8f: {  	_ = 	snop  }
0x90: {  	s2 =	sld [smem:$0x3FD0];
	(tm) =	ssettm $0x1  }
0x91: {  	s18 =	sld [smem:$0x3FFB];
	_ =	sdelay $0x3  }
0x92: {  	_ =	strace s18  }
0x93: {  	s3 =	sld [smem:$0x3FFC];
	_ =	sdelay $0x3  }
0x94: {  	_ =	strace s3  }
0x95: {  	s3 =	sld [smem:$0x3FFD];
	_ =	sdelay $0x3  }
0x96: {  	_ =	strace s3  }
0x97: {  	_ =	strace $0x8FFFFFFF  }
0x98: {  	s19 =	sld [smem:$0x3FDB];
	_ =	sdelay $0x1  }
0x99: {  	s4 =	simm.s32 $_scs_section_size  }
0x9a: {  	s5 =	simm.s32 $_size__tile_overlayer_lowered;
	s6 =	simm.s32 $_tile_overlayer_lowered  }
0x9b: {  	s22 =	simm.s32 $0x1BFF;
	s21 =	sshll.u32 s6, $0x1;
	s3 =	sadd.s32 s4, s19  }
0x9c: {  	s7 =	simm.s32 $0x0;
	s20 =	sshll.u32 s5, $0x1;
	s5 =	sadd.s32 s21, s3  }
0x9d: {  	[timem:s7], [sflag:s22] =	dma.local [hbm:s5], s20  }
0x9e: {  	_ =	swait.ge [sflag:s22], s20  }
0x9f: {  	s4 =	ssub.s32 $0x0, s20;
	[sflag:s22] =	ssyncset.done $0x0  }
0xa0: {  	[sflag:s22] =	ssyncadd.s32 s4;
	_ =	sdelay $0x1  }
0xa1: {  	s23 =	simm.s32 $0x1B8B  }
0xa2: {  	_ =	swait.ge [sflag:s23], $0x1  }
0xa3: {  	[sflag:s23] =	ssyncset.done $0x0  }
0xa4: {  	s25 =	simm.s32 $0x1B8E;
	s24 =	sld [smem:$0x3FFE];
	[sflag:s23] =	ssyncadd.s32 $0xFFFFFFFF  }
0xa5: {  	s26 =	simm.s32 $execute0_lowered;
	[smem:$0x3FD2] =	sst s25  }
0xa6: {  	s5 =	sshll.u32 s26, $0x1;
	_ =	strace $0x80000046;
	[dreg:$0x1] =	wrdreg $0xFFFFFFFF  }
0xa7: {  	s28 =	simm.s32 $_size_execute0_lowered;
	s3 =	sadd.s32 s3, s5;
	[dreg:$0x0] =	wrdreg $0x0  }
0xa8: {  	s5 =	sshll.u32 s28, $0x1;
	[dreg:$0x2] =	wrdreg s3  }
0xa9: {  	[dreg:$0x3] =	wrdreg s5  }
0xaa: {  	[dreg:$0x4] =	wrdreg $0xC0  }
0xab: {  	_ =	task [dreg:s7], $0x5FFFF  }
0xac: {  	[dreg:$0x1] =	wrdreg $0xFFFFFFFF  }
0xad: {  	[dreg:$0x0] =	wrdreg $0x60  }
0xae: {  	[dreg:$0x2] =	wrdreg s24  }
0xaf: {  	[dreg:$0x3] =	wrdreg s2  }
0xb0: {  	[dreg:$0x4] =	wrdreg $0xA8000  }
0xb1: {  	[dreg:$0x5] =	wrdreg $0x9  }
0xb2: {  	_ =	task.clear_ibuf [dreg:s7], $0x6FFFF;
	_ =	strace $0x90000046  }
0xb3: {  	s29 =	simm.s32 $0x9;
	_ =	strace $0x8000004D  }
0xb4: {  	_ =	swait.ge [sflag:s29], $0x1  }
0xb5: {  	[sflag:s29] =	ssyncadd.s32 $0xFFFFFFFF  }
0xb6: {  	_ =	strace $0x9000004D  }
0xb7: {  	_ =	sfence  }
0xb8: {  	s30 =	sld [smem:$0x0];
	_ =	sdelay $0x2  }
0xb9: {  	s31 =	sshll.u32 s1, $0xD;
	s1 =	sshrl.u32 s1, $0x2  }
0xba: {  	s3 =	sand.u32 $0x4000, s31;
	s1 =	sadd.s32 s1, s30  }
0xbb: {  	s0 =	sor.u32 s3, s0;
	s1 =	sshll.u32 s1, $0x11  }
0xbc: {  	s0 =	sor.u32 s1, s0  }
0xbd: {  	s0 =	sadd.s32 $0x8F2B, s0  }
0xbe: {  	[sflag:s0] =	ssyncadd.remote.s32 $0x1  }
0xbf: {  	_ =	sfence.sel $0xFFFF  }
0xc0: {  	[dreg:$0x0] =	wrdreg $0xFFFFFFFF;
	(pc) =	sbr.abs _section_cstart, $3  }
0xc1: {  	[dreg:$0x1] =	wrdreg $0xFFFFFFFF  }
0xc2: {  	_ =	task.clear_ibuf [dreg:s7], $0x2FFFF;
	_ =	strace $0x9FFFFFFF  }
0xc3: {  	(tm) =	ssettm $0x7FFFFFFF  }
tec
execute0_lowered:
.L_overlay_start_1:
0x0: {  	(tag) =	ssettag $0x1  }
0x1: {  	s0 =	rddreg [dreg:$0x0];
	s1 =	srdreg.scid  }
0x2: {  	s10 =	stileid.u32;
	s5 =	rddreg [dreg:$0x1]  }
0x3: {  	s2 =	rddreg [dreg:$0x2];
	s20 =	simm.s32 $0x2800;
	s28 =	simm.s32 $0x6800  }
0x4: {  	s29 =	simm.s32 $0x1;
	s31 =	simm.s32 $0x8800;
	s30 =	simm.s32 $0x3  }
0x5: {  	s1 =	sand.u32 $0x1, s1;
	s3 =	sshll.u32 s10, $0x1;
	s8 =	smul.u32 $0x14000, s10  }
0x6: {  	s10 =	smul.u32 $0x50000, s10;
	s11 =	sadd.s32 $0xB6600, s0;
	s4 =	sor.u32 s1, s3  }
0x7: {  	s3 =	simm.s32 $0x0;
	s6 =	smul.u32 $0x140000, s1;
	s1 =	ssub.s32 $0x2, s1  }
0x8: {  	s7 =	smul.u32 $0x280, s4;
	[smem:$0x7FF] =	sst s3;
	s4 =	sadd.s32 $0x1600, s0  }
0x9: {  	s21 =	sshrl.u32 s1, $0x1;
	s10 =	sshrl.u32 s10, $0x2;
	_ =	strace $0x80000047  }
0xa: {  	[dreg:$0x4] =	wrdreg s11;
	s6 =	sadd.s32 s8, s6;
	s1 =	ssub.s32 s1, s21  }
0xb: {  	s21 =	simm.s32 $0x9;
	s8 =	simm.s32 $0x0;
	s9 =	sadd.s32 s7, s0  }
0xc: {  	s6 =	sshrl.u32 s6, $0x3;
	s16 =	sadd.s32 s5, s7;
	s19 =	smax.u32 s1, $0x1  }
0xd: {  	s1 =	simm.s32 $0x2;
	s5 =	simm.s32 $0x7;
	s7 =	simm.s32 $0x8  }
0xe: {  	s0 =	sadd.s32 s6, s0;
	s6 =	sadd.s32 s10, s2;
	s17 =	sadd.s32 $0xB1600, s9  }
0xf: {  	s22 =	sadd.s32 $0x2000, s6;
	s23 =	sadd.s32 $0x4000, s6;
	s24 =	sadd.s32 $0x6000, s6  }
0x10: {  	s25 =	sadd.s32 $0x8000, s6;
	s26 =	sadd.s32 $0xA000, s6;
	[dreg:$0x5] =	wrdreg s22  }
0x11: {  	s12 =	sadd.s32 $0xC000, s6;
	s13 =	sadd.s32 $0xE000, s6;
	[dreg:$0x6] =	wrdreg s23  }
0x12: {  	s14 =	sadd.s32 $0x10000, s6;
	s15 =	sadd.s32 $0x12000, s6;
	[dreg:$0x7] =	wrdreg s24  }
0x13: {  	s18 =	sadd.s32 $0xB6A00, s0;
	s0 =	simm.s32 $0x4;
	[dreg:$0x8] =	wrdreg s25  }
0x14: {  	[dreg:$0x9] =	wrdreg s26;
	s22 =	simm.s32 $0x1400;
	s23 =	simm.s32 $0x40  }
0x15: {  	s24 =	simm.s32 $0x4800;
	s25 =	simm.s32 $0x5;
	s26 =	simm.s32 $0x6  }
.LBB2_1:
0x16: {  	_ =	strace $0x80000048  }
0x17: {  	s9 =	rddreg [dreg:$0x4]  }
0x18: {  	[tilespmem:s20], [sflag:$0x9] =	stream.linear.gather [hbm4b:s9+s3], $0x2000, $0x200038;
	[tilespmem:$0x1E800] =	vst v63  }
0x19: {  	_ =	swait.ge [sflag:s21], $0x2000  }
0x1a: {  	[sflag:s21] =	ssyncset.done $0x0  }
0x1b: {  	[sflag:s21] =	ssyncadd.s32 $0xFFFFE000  }
0x1c: {  	_ =	strace $0x90000048  }
0x1d: {  	[spmem:s6] =	stream.linear.scatter [tilespmem:s20], [sflag:$0x5], $0x2000, $0x38;
	[tilespmem:$0x1E800] =	vst v63  }
0x1e: {  	s11 =	rddreg [dreg:$0x5]  }
0x1f: {  	[spmem:s11] =	stream.linear.scatter [tilespmem:s20], [sflag:$0x5], $0x2000, $0x38;
	[tilespmem:$0x1E800] =	vst v63  }
0x20: {  	s10 =	rddreg [dreg:$0x6]  }
0x21: {  	[spmem:s10] =	stream.linear.scatter [tilespmem:s20], [sflag:$0x5], $0x2000, $0x38;
	[tilespmem:$0x1E800] =	vst v63  }
0x22: {  	s11 =	rddreg [dreg:$0x7]  }
0x23: {  	[spmem:s11] =	stream.linear.scatter [tilespmem:s20], [sflag:$0x5], $0x2000, $0x38;
	[tilespmem:$0x1E800] =	vst v63  }
0x24: {  	s10 =	rddreg [dreg:$0x8]  }
0x25: {  	[spmem:s10] =	stream.linear.scatter [tilespmem:s20], [sflag:$0x5], $0x2000, $0x38;
	[tilespmem:$0x1E800] =	vst v63  }
0x26: {  	s11 =	rddreg [dreg:$0x9]  }
0x27: {  	[spmem:s11] =	stream.linear.scatter [tilespmem:s20], [sflag:$0x5], $0x2000, $0x38;
	[tilespmem:$0x1E800] =	vst v63  }
0x28: {  	_ = 	snop  }
0x29: {  	[spmem:s12] =	stream.linear.scatter [tilespmem:s20], [sflag:$0x5], $0x2000, $0x38;
	[tilespmem:$0x1E800] =	vst v63  }
0x2a: {  	_ = 	snop  }
0x2b: {  	[spmem:s13] =	stream.linear.scatter [tilespmem:s20], [sflag:$0x5], $0x2000, $0x38;
	[tilespmem:$0x1E800] =	vst v63  }
0x2c: {  	_ = 	snop  }
0x2d: {  	[spmem:s14] =	stream.linear.scatter [tilespmem:s20], [sflag:$0x5], $0x2000, $0x38;
	[tilespmem:$0x1E800] =	vst v63  }
0x2e: {  	_ = 	snop  }
0x2f: {  	[spmem:s15] =	stream.linear.scatter [tilespmem:s20], [sflag:$0x5], $0x2000, $0x38;
	[tilespmem:$0x1E800] =	vst v63  }
0x30: {  	_ = 	snop  }
0x31: {  	[tilespmem:s3], [sflag:$0x9] =	stream.linear.gather [hbm4b:s16+s3], $0x1400, $0x38;
	[tilespmem:$0x1E800] =	vst v63  }
0x32: {  	_ =	swait.ge [sflag:s21], $0x1400  }
0x33: {  	[sflag:s21] =	ssyncset.done $0x0  }
0x34: {  	[sflag:s21] =	ssyncadd.s32 $0xFFFFEC00  }
0x35: {  	[tilespmem:s22], [sflag:$0x9] =	stream.linear.gather [hbm4b:s17+s3], $0x1400, $0x38;
	[tilespmem:$0x1E800] =	vst v63  }
0x36: {  	_ =	swait.ge [sflag:s21], $0x1400  }
0x37: {  	[sflag:s21] =	ssyncset.done $0x0  }
0x38: {  	[sflag:s21] =	ssyncadd.s32 $0xFFFFEC00  }
0x39: {  	[tilespmem:s20], [sflag:$0x1] =	stream.indirect.gather [hbm4b:s4+s23], $0x80, s3, s23, $0xb8;
	[tilespmem:$0x1E800] =	vst v63  }
0x3a: {  	_ = 	snop  }
0x3b: {  	[tilespmem:s24], [sflag:$0x2] =	stream.indirect.gather [hbm4b:s4+s23], $0x80, s23, s23, $0xb8;
	[tilespmem:$0x1E800] =	vst v63  }
0x3c: {  	_ =	strace $0x80000049  }
0x3d: {  	_ =	swait.ge [sflag:s25], $0x2000  }
0x3e: {  	[sflag:s25] =	ssyncset.done $0x0  }
0x3f: {  	[sflag:s25] =	ssyncadd.s32 $0xFFFFE000  }
0x40: {  	_ =	swait.ge [sflag:s25], $0x2000  }
0x41: {  	[sflag:s25] =	ssyncset.done $0x0  }
0x42: {  	[sflag:s25] =	ssyncadd.s32 $0xFFFFE000  }
0x43: {  	_ =	swait.ge [sflag:s25], $0x2000  }
0x44: {  	[sflag:s25] =	ssyncset.done $0x0  }
0x45: {  	[sflag:s25] =	ssyncadd.s32 $0xFFFFE000  }
0x46: {  	_ =	swait.ge [sflag:s25], $0x2000  }
0x47: {  	[sflag:s25] =	ssyncset.done $0x0  }
0x48: {  	[sflag:s25] =	ssyncadd.s32 $0xFFFFE000  }
0x49: {  	_ =	swait.ge [sflag:s25], $0x2000  }
0x4a: {  	[sflag:s25] =	ssyncset.done $0x0  }
0x4b: {  	[sflag:s25] =	ssyncadd.s32 $0xFFFFE000  }
0x4c: {  	_ =	swait.ge [sflag:s25], $0x2000  }
0x4d: {  	[sflag:s25] =	ssyncset.done $0x0  }
0x4e: {  	[sflag:s25] =	ssyncadd.s32 $0xFFFFE000  }
0x4f: {  	_ =	swait.ge [sflag:s25], $0x2000  }
0x50: {  	[sflag:s25] =	ssyncset.done $0x0  }
0x51: {  	[sflag:s25] =	ssyncadd.s32 $0xFFFFE000  }
0x52: {  	_ =	swait.ge [sflag:s25], $0x2000  }
0x53: {  	[sflag:s25] =	ssyncset.done $0x0  }
0x54: {  	[sflag:s25] =	ssyncadd.s32 $0xFFFFE000  }
0x55: {  	_ =	swait.ge [sflag:s25], $0x2000  }
0x56: {  	[sflag:s25] =	ssyncset.done $0x0  }
0x57: {  	[sflag:s25] =	ssyncadd.s32 $0xFFFFE000  }
0x58: {  	_ =	swait.ge [sflag:s25], $0x2000  }
0x59: {  	[sflag:s25] =	ssyncset.done $0x0  }
0x5a: {  	[sflag:s25] =	ssyncadd.s32 $0xFFFFE000  }
0x5b: {  	[bflag:$0x0] =	sbarrier.arrive $0xFFFF  }
0x5c: {  	_ =	strace $0x90000049  }
0x5d: {  	s10 =	simm.s32 $0x80;
	_ =	strace $0x8000004A  }
0x5e: {  	[tilespmem:s28], [sflag:$0x3] =	stream.indirect.gather [hbm4b:s4+s23], $0x80, s10, s23, $0x2000b8;
	[tilespmem:$0x1E800] =	vst v63  }
0x5f: {  	_ =	swait.ge [sflag:s29], $0x2000  }
0x60: {  	[sflag:s29] =	ssyncset.done $0x0  }
0x61: {  	[sflag:s29] =	ssyncadd.s32 $0xFFFFE000  }
0x62: {  	[spmem:s2] =	stream.indirect.scatter.add.f32 [tilespmem:s20], [sflag:$0x5], $0x80, s22, s23, $0x2000b8;
	[tilespmem:$0x1E800] =	vst v63  }
0x63: {  	s11 =	simm.s32 $0xC0  }
0x64: {  	[tilespmem:s31], [sflag:$0x4] =	stream.indirect.gather [hbm4b:s4+s23], $0x80, s11, s23, $0x2000b8;
	[tilespmem:$0x1E800] =	vst v63  }
0x65: {  	_ =	swait.ge [sflag:s1], $0x2000  }
0x66: {  	[sflag:s1] =	ssyncset.done $0x0  }
0x67: {  	s10 =	simm.s32 $0x1440;
	[sflag:s1] =	ssyncadd.s32 $0xFFFFE000  }
0x68: {  	[spmem:s2] =	stream.indirect.scatter.add.f32 [tilespmem:s24], [sflag:$0x6], $0x80, s10, s23, $0x2000b8;
	[tilespmem:$0x1E800] =	vst v63  }
0x69: {  	_ =	swait.ge [sflag:s25], $0x2000  }
0x6a: {  	[sflag:s25] =	ssyncset.done $0x0  }
0x6b: {  	s11 =	simm.s32 $0x100;
	[sflag:s25] =	ssyncadd.s32 $0xFFFFE000  }
0x6c: {  	[tilespmem:s20], [sflag:$0x1] =	stream.indirect.gather [hbm4b:s4+s23], $0x80, s11, s23, $0x2000b8;
	[tilespmem:$0x1E800] =	vst v63  }
0x6d: {  	_ =	swait.ge [sflag:s30], $0x2000  }
0x6e: {  	[sflag:s30] =	ssyncset.done $0x0  }
0x6f: {  	s10 =	simm.s32 $0x1480;
	[sflag:s30] =	ssyncadd.s32 $0xFFFFE000  }
0x70: {  	[spmem:s2] =	stream.indirect.scatter.add.f32 [tilespmem:s28], [sflag:$0x7], $0x80, s10, s23, $0x2000b8;
	[tilespmem:$0x1E800] =	vst v63  }
0x71: {  	_ =	swait.ge [sflag:s26], $0x2000  }
0x72: {  	[sflag:s26] =	ssyncset.done $0x0  }
0x73: {  	s11 =	simm.s32 $0x140;
	[sflag:s26] =	ssyncadd.s32 $0xFFFFE000  }
0x74: {  	[tilespmem:s24], [sflag:$0x2] =	stream.indirect.gather [hbm4b:s4+s23], $0x80, s11, s23, $0x2000b8;
	[tilespmem:$0x1E800] =	vst v63  }
0x75: {  	_ =	swait.ge [sflag:s0], $0x2000  }
0x76: {  	[sflag:s0] =	ssyncset.done $0x0  }
0x77: {  	s10 =	simm.s32 $0x14C0;
	[sflag:s0] =	ssyncadd.s32 $0xFFFFE000  }
0x78: {  	[spmem:s2] =	stream.indirect.scatter.add.f32 [tilespmem:s31], [sflag:$0x8], $0x80, s10, s23, $0x2000b8;
	[tilespmem:$0x1E800] =	vst v63  }
0x79: {  	_ =	swait.ge [sflag:s5], $0x2000  }
0x7a: {  	[sflag:s5] =	ssyncset.done $0x0  }
0x7b: {  	s11 =	simm.s32 $0x180;
	[sflag:s5] =	ssyncadd.s32 $0xFFFFE000  }
0x7c: {  	[tilespmem:s28], [sflag:$0x3] =	stream.indirect.gather [hbm4b:s4+s23], $0x80, s11, s23, $0x2000b8;
	[tilespmem:$0x1E800] =	vst v63  }
0x7d: {  	_ =	swait.ge [sflag:s29], $0x2000  }
0x7e: {  	[sflag:s29] =	ssyncset.done $0x0  }
0x7f: {  	s10 =	simm.s32 $0x1500;
	[sflag:s29] =	ssyncadd.s32 $0xFFFFE000  }
0x80: {  	[spmem:s2] =	stream.indirect.scatter.add.f32 [tilespmem:s20], [sflag:$0x5], $0x80, s10, s23, $0x2000b8;
	[tilespmem:$0x1E800] =	vst v63  }
0x81: {  	_ =	swait.ge [sflag:s7], $0x2000  }
0x82: {  	[sflag:s7] =	ssyncset.done $0x0  }
0x83: {  	s11 =	simm.s32 $0x1C0;
	[sflag:s7] =	ssyncadd.s32 $0xFFFFE000  }
0x84: {  	[tilespmem:s31], [sflag:$0x4] =	stream.indirect.gather [hbm4b:s4+s23], $0x80, s11, s23, $0x2000b8;
	[tilespmem:$0x1E800] =	vst v63  }
0x85: {  	_ =	swait.ge [sflag:s1], $0x2000  }
0x86: {  	[sflag:s1] =	ssyncset.done $0x0  }
0x87: {  	s10 =	simm.s32 $0x1540;
	[sflag:s1] =	ssyncadd.s32 $0xFFFFE000  }
0x88: {  	[spmem:s2] =	stream.indirect.scatter.add.f32 [tilespmem:s24], [sflag:$0x6], $0x80, s10, s23, $0x2000b8;
	[tilespmem:$0x1E800] =	vst v63  }
0x89: {  	_ =	swait.ge [sflag:s25], $0x2000  }
0x8a: {  	[sflag:s25] =	ssyncset.done $0x0  }
0x8b: {  	s11 =	simm.s32 $0x200;
	[sflag:s25] =	ssyncadd.s32 $0xFFFFE000  }
0x8c: {  	[tilespmem:s20], [sflag:$0x1] =	stream.indirect.gather [hbm4b:s4+s23], $0x80, s11, s23, $0x2000b8;
	[tilespmem:$0x1E800] =	vst v63  }
0x8d: {  	_ =	swait.ge [sflag:s30], $0x2000  }
0x8e: {  	[sflag:s30] =	ssyncset.done $0x0  }
0x8f: {  	s10 =	simm.s32 $0x1580;
	[sflag:s30] =	ssyncadd.s32 $0xFFFFE000  }
0x90: {  	[spmem:s2] =	stream.indirect.scatter.add.f32 [tilespmem:s28], [sflag:$0x7], $0x80, s10, s23, $0x2000b8;
	[tilespmem:$0x1E800] =	vst v63  }
0x91: {  	_ =	swait.ge [sflag:s26], $0x2000  }
0x92: {  	[sflag:s26] =	ssyncset.done $0x0  }
0x93: {  	s11 =	simm.s32 $0x240;
	[sflag:s26] =	ssyncadd.s32 $0xFFFFE000  }
0x94: {  	[tilespmem:s24], [sflag:$0x2] =	stream.indirect.gather [hbm4b:s4+s23], $0x80, s11, s23, $0x2000b8;
	[tilespmem:$0x1E800] =	vst v63  }
0x95: {  	_ =	swait.ge [sflag:s0], $0x2000  }
0x96: {  	[sflag:s0] =	ssyncset.done $0x0  }
0x97: {  	s9 =	simm.s32 $0x400;
	s10 =	simm.s32 $0x15C0;
	[sflag:s0] =	ssyncadd.s32 $0xFFFFE000  }
.LBB2_2:
0x98: {  	[spmem:s2] =	stream.indirect.scatter.add.f32 [tilespmem:s31], [sflag:$0x8], $0x80, s10, s23, $0x2000b8;
	[tilespmem:$0x1E800] =	vst v63  }
0x99: {  	s10 =	smov.u32 s9  }
0x9a: {  	p0 =	sne.s32 s9, $0x4400;
	s9 =	sadd.s32 $0x400, s9;
	_ =	swait.ge [sflag:s5], $0x2000  }
0x9b: {  	s10 =	sshra.s32 s10, $0x2;
	[sflag:s5] =	ssyncset.done $0x0  }
0x9c: {  	s11 =	sadd.s32 $0x180, s10;
	[sflag:s5] =	ssyncadd.s32 $0xFFFFE000  }
0x9d: {  	[tilespmem:s28], [sflag:$0x3] =	stream.indirect.gather [hbm4b:s4+s23], $0x80, s11, s23, $0x2000b8;
	[tilespmem:$0x1E800] =	vst v63  }
0x9e: {  	_ =	swait.ge [sflag:s29], $0x2000  }
0x9f: {  	[sflag:s29] =	ssyncset.done $0x0  }
0xa0: {  	s11 =	sadd.s32 $0x1500, s10;
	[sflag:s29] =	ssyncadd.s32 $0xFFFFE000  }
0xa1: {  	[spmem:s2] =	stream.indirect.scatter.add.f32 [tilespmem:s20], [sflag:$0x5], $0x80, s11, s23, $0x2000b8;
	[tilespmem:$0x1E800] =	vst v63  }
0xa2: {  	_ =	swait.ge [sflag:s7], $0x2000  }
0xa3: {  	[sflag:s7] =	ssyncset.done $0x0  }
0xa4: {  	s11 =	sadd.s32 $0x1C0, s10;
	[sflag:s7] =	ssyncadd.s32 $0xFFFFE000  }
0xa5: {  	[tilespmem:s31], [sflag:$0x4] =	stream.indirect.gather [hbm4b:s4+s23], $0x80, s11, s23, $0x2000b8;
	[tilespmem:$0x1E800] =	vst v63  }
0xa6: {  	_ =	swait.ge [sflag:s1], $0x2000  }
0xa7: {  	[sflag:s1] =	ssyncset.done $0x0  }
0xa8: {  	s11 =	sadd.s32 $0x1540, s10;
	[sflag:s1] =	ssyncadd.s32 $0xFFFFE000  }
0xa9: {  	[spmem:s2] =	stream.indirect.scatter.add.f32 [tilespmem:s24], [sflag:$0x6], $0x80, s11, s23, $0x2000b8;
	[tilespmem:$0x1E800] =	vst v63  }
0xaa: {  	_ =	swait.ge [sflag:s25], $0x2000  }
0xab: {  	[sflag:s25] =	ssyncset.done $0x0  }
0xac: {  	s11 =	sadd.s32 $0x200, s10;
	[sflag:s25] =	ssyncadd.s32 $0xFFFFE000  }
0xad: {  	[tilespmem:s20], [sflag:$0x1] =	stream.indirect.gather [hbm4b:s4+s23], $0x80, s11, s23, $0x2000b8;
	[tilespmem:$0x1E800] =	vst v63  }
0xae: {  	_ =	swait.ge [sflag:s30], $0x2000  }
0xaf: {  	[sflag:s30] =	ssyncset.done $0x0  }
0xb0: {  	s11 =	sadd.s32 $0x1580, s10;
	[sflag:s30] =	ssyncadd.s32 $0xFFFFE000  }
0xb1: {  	[spmem:s2] =	stream.indirect.scatter.add.f32 [tilespmem:s28], [sflag:$0x7], $0x80, s11, s23, $0x2000b8;
	[tilespmem:$0x1E800] =	vst v63  }
0xb2: {  	_ =	swait.ge [sflag:s26], $0x2000  }
0xb3: {  	[sflag:s26] =	ssyncset.done $0x0  }
.Ltmp0:
0xb4: {  	s11 =	sadd.s32 $0x240, s10;
	[sflag:s26] =	ssyncadd.s32 $0xFFFFE000;
	(pc) =	sbr.rel @p0 .LBB2_2-.Ltmp0, $4  }
0xb5: {  	[tilespmem:s24], [sflag:$0x2] =	stream.indirect.gather [hbm4b:s4+s23], $0x80, s11, s23, $0x2000b8;
	[tilespmem:$0x1E800] =	vst v63  }
0xb6: {  	_ =	swait.ge [sflag:s0], $0x2000  }
0xb7: {  	[sflag:s0] =	ssyncset.done $0x0  }
0xb8: {  	s10 =	sadd.s32 $0x15C0, s10;
	[sflag:s0] =	ssyncadd.s32 $0xFFFFE000  }
0xb9: {  	[spmem:s2] =	stream.indirect.scatter.add.f32 [tilespmem:s31], [sflag:$0x8], $0x80, s10, s23, $0x2000b8;
	[tilespmem:$0x1E800] =	vst v63  }
0xba: {  	_ =	swait.ge [sflag:s5], $0x2000  }
0xbb: {  	[sflag:s5] =	ssyncset.done $0x0  }
0xbc: {  	s9 =	simm.s32 $0x1380;
	[sflag:s5] =	ssyncadd.s32 $0xFFFFE000  }
0xbd: {  	[tilespmem:s28], [sflag:$0x3] =	stream.indirect.gather [hbm4b:s4+s23], $0x80, s9, s23, $0x2000b8;
	[tilespmem:$0x1E800] =	vst v63  }
0xbe: {  	_ =	swait.ge [sflag:s29], $0x2000  }
0xbf: {  	[sflag:s29] =	ssyncset.done $0x0  }
0xc0: {  	s11 =	simm.s32 $0x2700;
	[sflag:s29] =	ssyncadd.s32 $0xFFFFE000  }
0xc1: {  	[spmem:s2] =	stream.indirect.scatter.add.f32 [tilespmem:s20], [sflag:$0x5], $0x80, s11, s23, $0x2000b8;
	[tilespmem:$0x1E800] =	vst v63  }
0xc2: {  	_ =	swait.ge [sflag:s7], $0x2000  }
0xc3: {  	[sflag:s7] =	ssyncset.done $0x0  }
0xc4: {  	s10 =	simm.s32 $0x13C0;
	[sflag:s7] =	ssyncadd.s32 $0xFFFFE000  }
0xc5: {  	[tilespmem:s31], [sflag:$0x4] =	stream.indirect.gather [hbm4b:s4+s23], $0x80, s10, s23, $0x2000b8;
	[tilespmem:$0x1E800] =	vst v63  }
0xc6: {  	_ =	swait.ge [sflag:s1], $0x2000  }
0xc7: {  	[sflag:s1] =	ssyncset.done $0x0  }
0xc8: {  	s11 =	simm.s32 $0x2740;
	[sflag:s1] =	ssyncadd.s32 $0xFFFFE000  }
0xc9: {  	[spmem:s2] =	stream.indirect.scatter.add.f32 [tilespmem:s24], [sflag:$0x6], $0x80, s11, s23, $0x2000b8;
	[tilespmem:$0x1E800] =	vst v63  }
0xca: {  	_ =	swait.ge [sflag:s30], $0x2000  }
0xcb: {  	[sflag:s30] =	ssyncset.done $0x0  }
0xcc: {  	s10 =	simm.s32 $0x2780;
	[sflag:s30] =	ssyncadd.s32 $0xFFFFE000  }
0xcd: {  	[spmem:s2] =	stream.indirect.scatter.add.f32 [tilespmem:s28], [sflag:$0x7], $0x80, s10, s23, $0x2000b8;
	[tilespmem:$0x1E800] =	vst v63  }
0xce: {  	_ =	swait.ge [sflag:s0], $0x2000  }
0xcf: {  	[sflag:s0] =	ssyncset.done $0x0  }
0xd0: {  	s11 =	simm.s32 $0x27C0;
	[sflag:s0] =	ssyncadd.s32 $0xFFFFE000  }
0xd1: {  	[spmem:s2] =	stream.indirect.scatter.add.f32 [tilespmem:s31], [sflag:$0x8], $0x80, s11, s23, $0x2000b8;
	[tilespmem:$0x1E800] =	vst v63  }
0xd2: {  	_ =	swait.ge [sflag:s25], $0x2000  }
0xd3: {  	[sflag:s25] =	ssyncset.done $0x0  }
0xd4: {  	[sflag:s25] =	ssyncadd.s32 $0xFFFFE000  }
0xd5: {  	_ =	swait.ge [sflag:s26], $0x2000  }
0xd6: {  	[sflag:s26] =	ssyncset.done $0x0  }
0xd7: {  	[sflag:s26] =	ssyncadd.s32 $0xFFFFE000  }
0xd8: {  	_ =	swait.ge [sflag:s5], $0x2000  }
0xd9: {  	[sflag:s5] =	ssyncset.done $0x0  }
0xda: {  	[sflag:s5] =	ssyncadd.s32 $0xFFFFE000  }
0xdb: {  	_ =	swait.ge [sflag:s7], $0x2000  }
0xdc: {  	[sflag:s7] =	ssyncset.done $0x0  }
0xdd: {  	[sflag:s7] =	ssyncadd.s32 $0xFFFFE000  }
0xde: {  	_ =	strace $0x9000004A  }
0xdf: {  	_ =	strace $0x8000004B  }
0xe0: {  	s8 =	sadd.s32 $0x1, s8;
	s10 =	stileid.u32;
	[bflag:$0x0] =	sbarrier.arrive $0xFFFF  }
0xe1: {  	p0 =	sne.s32 s8, s19;
	s9 =	sshll.u32 s10, $0x6;
	_ =	strace $0x9000004B  }
0xe2: {  	s9 =	sor.u32 $0x1C09, s9;
	s11 =	sshrl.u32 s6, $0x3;
	_ =	strace $0x8000004C  }
0xe3: {  	[hbm:s18], [sflag:s9] =	dma.local [spmem:s11], $0x2800  }
.Ltmp1:
0xe4: {  	_ = 	snop;
	(pc) =	sbr.rel @p0 .LBB2_1-.Ltmp1, $4  }
0xe5: {  	_ =	swait.ge [sflag:s21], $0x2800  }
0xe6: {  	[sflag:s21] =	ssyncset.done $0x0  }
0xe7: {  	[sflag:s21] =	ssyncadd.s32 $0xFFFFD800  }
0xe8: {  	_ =	strace $0x9000004C  }
0xe9: {  	_ =	sfence.sel $0x180000  }
0xea: {  	[bflag:$0x0] =	sbarrier.arrive $0xFFFF  }
0xeb: {  	_ =	strace $0x90000047  }
0xec: {  	s0 =	stileid.u32;
	[bflag:$0x2] =	sbarrier.arrive $0xFFFF  }
0xed: {  	p0 =	sne.s32 s0, $0x0;
	s0 =	rddreg [dreg:$0x3]  }
0xee: {  	s0 =	sadd.s32 @!p0 $0x100000, s0  }
0xef: {  	[sflag:s0] =	ssyncadd.tile.s32 @!p0 $0x1;
	_ =	shalt  }
.Lfunc_end2:
_tile_overlayer_lowered:
.L_overlay_start_2:
0xf0: {  	(tag) =	ssettag $0x2  }
0xf1: {  	s0 =	rddreg [dreg:$0x0];
	s2 =	stileid.u32  }
0xf2: {  	s1 =	rddreg [dreg:$0x1];
	p0 =	sne.s32 s2, $0x0  }
0xf3: {  	s3 =	rddreg [dreg:$0x2];
	[bflag:$0x3] =	sbarrier.arrive $0xFFFF;
	s2 =	simm.s32 @!p0 $0x1C09  }
0xf4: {  	[timem:s3], [sflag:s2] =	dma.local @!p0 [hbm:s0], s1  }
0xf5: {  	s0 =	simm.s32 @!p0 $0x9  }
0xf6: {  	_ =	swait.ge @!p0 [sflag:s0], s1  }
0xf7: {  	s1 =	ssub.s32 @!p0 $0x0, s1;
	[sflag:s0] =	ssyncset.done @!p0 $0x0  }
0xf8: {  	[sflag:s0] =	ssyncadd.s32 @!p0 s1  }
0xf9: {  	[bflag:$0x3] =	sbarrier.arrive $0xFFFF  }
0xfa: {  	_ =	shalt  }

</sc_bundles>
